<compile_context>
chip_gen: v7x
topology: tpu7x:2x2x1
jax: 0.10.2.dev20260603
libtpu: 0.0.44.dev20260713+nightly
codegen_flags: <defaults>
</compile_context>

<pallas_src>
import functools

import jax
import jax.numpy as jnp
import numpy as np
from jax import lax
from jax.experimental import pallas as pl
from jax.experimental.pallas import tpu as pltpu
from jax.experimental.pallas import tpu_sc as plsc

_MSB = np.int32(-(2 ** 31))


def _cumsum2(x2, upper, strict):
    pref = lax.dot_general(x2, upper, (((1,), (0,)), ((), ())),
                           preferred_element_type=jnp.float32)
    rowsum = pref[:, 127:128]
    rb = lax.dot_general(strict, rowsum, (((0,), (0,)), ((), ())),
                         preferred_element_type=jnp.float32)
    return pref + rb


_STRIPES = 4


def _tc_body(kk, h_ref, idx_ref, keys_s, vs_s, ce_s, upper_s, strict_s,
             hbuf, hsem):
    ph = pl.program_id(0)
    b = pl.program_id(1)
    nb = pl.num_programs(1)
    n = h_ref.shape[1]
    d = h_ref.shape[2]
    r = n // 128
    sr = n // _STRIPES

    def _issue(bb, buf):
        for st in range(_STRIPES):
            pltpu.make_async_copy(
                h_ref.at[bb, pl.ds(st * sr, sr), :],
                hbuf.at[buf, pl.ds(st * sr, sr), :],
                hsem.at[buf, st]).start()

    @pl.when(ph == 0)
    def _phase0():
        @pl.when(b == 0)
        def _prime():
            _issue(0, 0)
            ci = lax.broadcasted_iota(jnp.int32, (128, 128), 0)
            cj = lax.broadcasted_iota(jnp.int32, (128, 128), 1)
            upper_s[...] = (ci <= cj).astype(jnp.float32)
            ri = lax.broadcasted_iota(jnp.int32, (r, r), 0)
            rj = lax.broadcasted_iota(jnp.int32, (r, r), 1)
            strict_s[...] = (ri < rj).astype(jnp.float32)

        for par in (0, 1):
            @pl.when(b % 2 == par)
            def _run():
                for st in range(_STRIPES):
                    pltpu.make_async_copy(
                        h_ref.at[b, pl.ds(st * sr, sr), :],
                        hbuf.at[par, pl.ds(st * sr, sr), :],
                        hsem.at[par, st]).wait()

                @pl.when(b + 1 < nb)
                def _prefetch():
                    _issue(b + 1, 1 - par)

                hb = hbuf[par]
                hb_bf = hb.astype(jnp.bfloat16).astype(jnp.float32)
                s = jnp.sum(hb_bf, axis=0)
                scores = jnp.sum(hb_bf * s.reshape(1, -1), axis=1)
                ib = lax.bitcast_convert_type(scores, jnp.int32)
                key = jnp.where(ib < 0, ib ^ np.int32(0x7FFFFFFF), ib)
                for g in range(keys_s.shape[0]):
                    @pl.when(b == g)
                    def _store():
                        keys_s[g, :] = key

        @pl.when(b == nb - 1)
        def _search():
            keys = keys_s[...]

            def bs_body(t, p):
                bit = 31 - t
                mask_bit = lax.shift_left(jnp.int32(1), bit)
                ones_low = mask_bit - jnp.int32(1)
                u = (p | ones_low) ^ _MSB
                cnt = jnp.sum((keys <= u).astype(jnp.int32), axis=1,
                              keepdims=True)
                return jnp.where(cnt >= kk, p, p | mask_bit)

            p = lax.fori_loop(0, 32, bs_body,
                              jnp.zeros((keys.shape[0], 1), jnp.int32))
            vs = p ^ _MSB
            c1 = jnp.sum((keys < vs).astype(jnp.int32), axis=1, keepdims=True)
            ce = jnp.int32(kk) - c1
            vs_s[...] = jnp.broadcast_to(vs, vs_s.shape)
            ce_s[...] = jnp.broadcast_to(ce, ce_s.shape)

    @pl.when(ph == 1)
    def _phase1():
        keys = keys_s[...]
        bsel = lax.broadcasted_iota(jnp.int32, keys.shape, 0) == b
        key = jnp.sum(jnp.where(bsel, keys, 0), axis=0)
        rsel = lax.broadcasted_iota(jnp.int32, vs_s.shape, 0) == b
        vs_row = jnp.sum(jnp.where(rsel, vs_s[...], 0), axis=0)
        ce_row = jnp.sum(jnp.where(rsel, ce_s[...], 0), axis=0)

        k2 = key.reshape(n // 128, 128)
        lt2 = k2 < vs_row.reshape(1, 128)
        eq2 = k2 == vs_row.reshape(1, 128)
        upper = upper_s[...]
        strict = strict_s[...]
        eqrank2 = _cumsum2(eq2.astype(jnp.float32), upper, strict)
        mask2 = lt2 | (eq2 & (eqrank2 <= ce_row.reshape(1, 128).astype(jnp.float32)))

        cum2 = _cumsum2(mask2.astype(jnp.float32), upper, strict)
        cum16 = cum2.reshape(1, n).astype(jnp.int16)
        k16 = lax.broadcasted_iota(jnp.int32, (kk, 1), 0).astype(jnp.int16)
        cmp = jnp.where(cum16 <= k16,
                        jnp.bfloat16(1), jnp.bfloat16(0))
        ones_col = jnp.ones((n, 1), jnp.bfloat16)
        idx_f = lax.dot_general(
            cmp, ones_col, (((1,), (0,)), ((), ())),
            preferred_element_type=jnp.float32)[:, 0]
        idx_ref[0, 0, :] = idx_f.astype(jnp.int32) + b * n


def _tc_select(h, kk):
    B, N, D = h.shape
    idx3 = pl.pallas_call(
        functools.partial(_tc_body, kk),
        grid=(2, B),
        in_specs=[pl.BlockSpec(memory_space=pl.ANY)],
        out_specs=pl.BlockSpec((1, 1, kk),
                               lambda p, b: (jnp.where(p == 0, 0, b), 0, 0)),
        out_shape=jax.ShapeDtypeStruct((B, 1, kk), jnp.int32),
        scratch_shapes=[
            pltpu.VMEM((B, N), jnp.int32),
            pltpu.VMEM((B, 128), jnp.int32),
            pltpu.VMEM((B, 128), jnp.int32),
            pltpu.VMEM((128, 128), jnp.float32),
            pltpu.VMEM((N // 128, N // 128), jnp.float32),
            pltpu.VMEM((2, N, D), jnp.float32),
            pltpu.SemaphoreType.DMA((2, _STRIPES)),
        ],
    )(h)
    return idx3.reshape(B * kk)


def _make_sc_gather(B, N, D, kk):
    info = plsc.get_sparse_core_info()
    NC, NS, L = info.num_cores, info.num_subcores, info.num_lanes
    NW = NC * NS
    total = B * kk
    rw = total // NW
    gch = rw // L

    mesh = plsc.VectorSubcoreMesh(core_axis_name="c", subcore_axis_name="s")

    @functools.partial(
        pl.kernel, mesh=mesh,
        out_type=[
            jax.ShapeDtypeStruct((total, D), jnp.float32),
            jax.ShapeDtypeStruct((total, N), jnp.float32),
        ],
        scratch_types=[
            pltpu.VMEM((rw,), jnp.int32),
            pltpu.VMEM((L, D), jnp.float32),
            pltpu.VMEM((L, D), jnp.float32),
            pltpu.VMEM((L, D), jnp.float32),
            pltpu.VMEM((L, N), jnp.float32),
            pltpu.VMEM((L, N), jnp.float32),
            pltpu.VMEM((L, N), jnp.float32),
        ] + [pltpu.SemaphoreType.DMA] * 12,
    )
    def sc_gather(idx_hbm, h_hbm, adj_hbm, newh_hbm, newadj_hbm,
                  idx_v, hb0, hb1, hb2, ab0, ab1, ab2,
                  sga0, sga1, sga2, sgh0, sgh1, sgh2,
                  ssa0, ssa1, ssa2, ssh0, ssh1, ssh2):
        wid = lax.axis_index("s") * NC + lax.axis_index("c")
        base = wid * rw
        pltpu.sync_copy(idx_hbm.at[pl.ds(base, rw)], idx_v)

        bufs = ((ab0, hb0, sga0, sgh0, ssa0, ssh0),
                (ab1, hb1, sga1, sgh1, ssa1, ssh1),
                (ab2, hb2, sga2, sgh2, ssa2, ssh2))

        def start_gather(t, s):
            ab, hb, sga, sgh, _, _ = s
            idxs = idx_v[pl.ds(t * L, L)]
            pltpu.make_async_copy(adj_hbm.at[idxs], ab, sga).start()
            pltpu.make_async_copy(h_hbm.at[idxs], hb, sgh).start()

        def wait_gather(s):
            ab, hb, sga, sgh, _, _ = s
            idxs = idx_v[pl.ds(0, L)]
            pltpu.make_async_copy(adj_hbm.at[idxs], ab, sga).wait()
            pltpu.make_async_copy(h_hbm.at[idxs], hb, sgh).wait()

        def start_scatter(t, s):
            ab, hb, _, _, ssa, ssh = s
            ob = base + t * L
            pltpu.make_async_copy(ab, newadj_hbm.at[pl.ds(ob, L)], ssa).start()
            pltpu.make_async_copy(hb, newh_hbm.at[pl.ds(ob, L)], ssh).start()

        def wait_scatter(s):
            ab, hb, _, _, ssa, ssh = s
            pltpu.make_async_copy(ab, newadj_hbm.at[pl.ds(base, L)], ssa).wait()
            pltpu.make_async_copy(hb, newh_hbm.at[pl.ds(base, L)], ssh).wait()

        start_gather(0, bufs[0])
        start_gather(1, bufs[1])

        def g_body(t, carry):
            for par in (0, 1, 2):
                @pl.when(t % 3 == par)
                def _step():
                    cur = bufs[par]
                    nxt = bufs[(par + 2) % 3]

                    @pl.when(t >= 1)
                    def _drain():
                        wait_scatter(nxt)

                    @pl.when(t + 2 < gch)
                    def _refill():
                        start_gather(t + 2, nxt)

                    wait_gather(cur)
                    start_scatter(t, cur)
            return carry

        lax.fori_loop(0, gch, g_body, jnp.int32(0))
        wait_scatter(bufs[(gch - 1) % 3])

    return sc_gather


def kernel(h, adj):
    B, N, D = h.shape
    kk = max(1, int(0.5 * N))
    flat_idx = _tc_select(h, kk)
    sc = _make_sc_gather(B, N, D, kk)
    new_h, new_adj = sc(flat_idx, h.reshape(B * N, D), adj.reshape(B * N, N))
    return new_h.reshape(B, kk, D), new_adj.reshape(B, kk, N)

# --- scband reference (transcript-rebuilt; emitter-appended) ---
"""Pipeline reference for scband-pool-12919261627034 (READ-ONLY COPY).

The authoritative reference and input builder live on the scoring server;
editing this copy changes nothing except your own understanding.
"""

import jax, jax.numpy as jnp
import numpy as np

K_RATIO = 0.5

def setup_inputs(seed: int = 0) -> dict:
    key = jax.random.key(seed)
    k1, k2 = jax.random.split(key)
    h = jax.random.normal(k1, (8, 2048, 256), dtype=jnp.float32)
    adj = jax.random.uniform(k2, (8, 2048, 2048), dtype=jnp.float32)
    return {"h": h, "adj": adj}

def reference(h, adj):
    # Dropout with p=0.0 is identity
    Z = h
    # scores = sum over last dim of Z @ Z^T -> [B, N]
    scores = jnp.sum(jnp.matmul(Z, jnp.transpose(Z, (0, 2, 1))), axis=-1)
    num_nodes = h.shape[1]
    kk = max(1, int(K_RATIO * num_nodes))
    # torch.topk(..., largest=False): take smallest kk -> top_k of negated scores
    _, idx = jax.lax.top_k(-scores, kk)  # [B, kk]
    idx = jnp.sort(idx, axis=1)
    new_h = jnp.take_along_axis(h, idx[:, :, None], axis=1)          # [B, kk, D]
    new_adj = jnp.take_along_axis(adj, idx[:, :, None], axis=1)      # [B, kk, N]
    return (new_h, new_adj)

if __name__ == "__main__":
    import jax
    _d = setup_inputs()
    print(jax.jit(kernel)(*tuple(_d.values())))

</pallas_src>

<mosaic_0001>
#map = affine_map<(d0, d1) -> (0)>
#map1 = affine_map<(d0, d1) -> (0, 0)>
module attributes {stable_mosaic.version = 14 : i64} {
  func.func @sc_gather(%arg0: i32, %arg1: i32, %arg2: memref<8192xi32, #tpu.memory_space<hbm>>, %arg3: memref<16384x256xf32, #tpu.memory_space<hbm>>, %arg4: memref<16384x2048xf32, #tpu.memory_space<hbm>>, %arg5: memref<8192x256xf32, #tpu.memory_space<hbm>>, %arg6: memref<8192x2048xf32, #tpu.memory_space<hbm>>, %arg7: memref<256xi32, #tpu.memory_space<vmem>>, %arg8: memref<16x256xf32, #tpu.memory_space<vmem>>, %arg9: memref<16x256xf32, #tpu.memory_space<vmem>>, %arg10: memref<16x256xf32, #tpu.memory_space<vmem>>, %arg11: memref<16x2048xf32, #tpu.memory_space<vmem>>, %arg12: memref<16x2048xf32, #tpu.memory_space<vmem>>, %arg13: memref<16x2048xf32, #tpu.memory_space<vmem>>, %arg14: memref<!tpu.dma_semaphore, #tpu.memory_space<semaphore_mem>>, %arg15: memref<!tpu.dma_semaphore, #tpu.memory_space<semaphore_mem>>, %arg16: memref<!tpu.dma_semaphore, #tpu.memory_space<semaphore_mem>>, %arg17: memref<!tpu.dma_semaphore, #tpu.memory_space<semaphore_mem>>, %arg18: memref<!tpu.dma_semaphore, #tpu.memory_space<semaphore_mem>>, %arg19: memref<!tpu.dma_semaphore, #tpu.memory_space<semaphore_mem>>, %arg20: memref<!tpu.dma_semaphore, #tpu.memory_space<semaphore_mem>>, %arg21: memref<!tpu.dma_semaphore, #tpu.memory_space<semaphore_mem>>, %arg22: memref<!tpu.dma_semaphore, #tpu.memory_space<semaphore_mem>>, %arg23: memref<!tpu.dma_semaphore, #tpu.memory_space<semaphore_mem>>, %arg24: memref<!tpu.dma_semaphore, #tpu.memory_space<semaphore_mem>>, %arg25: memref<!tpu.dma_semaphore, #tpu.memory_space<semaphore_mem>>) attributes {dimension_semantics = [#tpu.dimension_semantics<core_parallel>, #tpu.dimension_semantics<subcore_parallel>], iteration_bounds = array<i64: 2, 16>, scalar_prefetch = 0 : i64, scratch_operands = 19 : i64, tpu.core_type = #tpu.core_type<sc_vector_subcore>, window_params = [{transform_indices = #map}, {transform_indices = #map1}, {transform_indices = #map1}, {transform_indices = #map1}, {transform_indices = #map1}]} {
    %mul3A = arith.constant 2 : i32
    %mul3A_0 = arith.muli %arg1, %mul3A : i32
    %add3A = arith.addi %mul3A_0, %arg0 : i32
    %mul3A_1 = arith.constant 256 : i32
    %mul3A_2 = arith.muli %add3A, %mul3A_1 : i32
    "tpu.region"() ({
      %run_scoped3A = tpu.sem_alloc : memref<!tpu.dma_semaphore, #tpu.memory_space<semaphore_mem>>
      %dma_start3A_31 = tpu.memref_slice %arg2[%mul3A_2] : memref<8192xi32, #tpu.memory_space<hbm>> -> memref<256xi32, #tpu.memory_space<hbm>>
      %dma_start3A_32 = tpu.memref_slice %arg2[%mul3A_2] : memref<8192xi32, #tpu.memory_space<hbm>> -> memref<256xi32, #tpu.memory_space<hbm>>
      tpu.enqueue_dma source(%dma_start3A_32 : memref<256xi32, #tpu.memory_space<hbm>>) target(%arg7 : memref<256xi32, #tpu.memory_space<vmem>>) target_semaphore(%run_scoped3A : memref<!tpu.dma_semaphore, #tpu.memory_space<semaphore_mem>>)
      %dma_wait3A_33 = tpu.memref_slice %arg2[%mul3A_2] : memref<8192xi32, #tpu.memory_space<hbm>> -> memref<256xi32, #tpu.memory_space<hbm>>
      %dma_wait3A_34 = tpu.memref_slice %arg2[%mul3A_2] : memref<8192xi32, #tpu.memory_space<hbm>> -> memref<256xi32, #tpu.memory_space<hbm>>
      tpu.wait_dma2 semaphore(%run_scoped3A : memref<!tpu.dma_semaphore, #tpu.memory_space<semaphore_mem>>) src(%dma_wait3A_34 : memref<256xi32, #tpu.memory_space<hbm>>) dst(%arg7 : memref<256xi32, #tpu.memory_space<vmem>>)
      tpu.yield
    }) : () -> ()
    %get3A = arith.constant 0 : index
    %get3A_3 = tpu.vector_load %arg7[%get3A] {strides = array<i32>} : memref<256xi32, #tpu.memory_space<vmem>>, vector<16xi32>,
    %get3A_4 = vector.shape_cast %get3A_3 : vector<16xi32> to vector<16xi32>
    %dma_start3A = arith.constant 0 : i32
    %dma_start3A_5 = arith.constant 0 : i32
    %dma_start3A_6 = tpu.memref_slice %arg4[%dma_start3A, %dma_start3A_5] : memref<16384x2048xf32, #tpu.memory_space<hbm>> -> memref<16384x2048xf32, #tpu.memory_space<hbm>>
    tpu.enqueue_indirect_dma source(%dma_start3A_6 : memref<16384x2048xf32, #tpu.memory_space<hbm>>) target(%arg11 : memref<16x2048xf32, #tpu.memory_space<vmem>>) offsets(%get3A_4 : vector<16xi32>) semaphore(%arg14 : memref<!tpu.dma_semaphore, #tpu.memory_space<semaphore_mem>>)
    %dma_start3A_7 = arith.constant 0 : i32
    %dma_start3A_8 = arith.constant 0 : i32
    %dma_start3A_9 = tpu.memref_slice %arg3[%dma_start3A_7, %dma_start3A_8] : memref<16384x256xf32, #tpu.memory_space<hbm>> -> memref<16384x256xf32, #tpu.memory_space<hbm>>
    tpu.enqueue_indirect_dma source(%dma_start3A_9 : memref<16384x256xf32, #tpu.memory_space<hbm>>) target(%arg8 : memref<16x256xf32, #tpu.memory_space<vmem>>) offsets(%get3A_4 : vector<16xi32>) semaphore(%arg17 : memref<!tpu.dma_semaphore, #tpu.memory_space<semaphore_mem>>)
    %get3A_10 = arith.constant 16 : index
    %get3A_11 = tpu.vector_load %arg7[%get3A_10] {strides = array<i32>} : memref<256xi32, #tpu.memory_space<vmem>>, vector<16xi32>,
    %get3A_12 = vector.shape_cast %get3A_11 : vector<16xi32> to vector<16xi32>
    %dma_start3A_13 = arith.constant 0 : i32
    %dma_start3A_14 = arith.constant 0 : i32
    %dma_start3A_15 = tpu.memref_slice %arg4[%dma_start3A_13, %dma_start3A_14] : memref<16384x2048xf32, #tpu.memory_space<hbm>> -> memref<16384x2048xf32, #tpu.memory_space<hbm>>
    tpu.enqueue_indirect_dma source(%dma_start3A_15 : memref<16384x2048xf32, #tpu.memory_space<hbm>>) target(%arg12 : memref<16x2048xf32, #tpu.memory_space<vmem>>) offsets(%get3A_12 : vector<16xi32>) semaphore(%arg15 : memref<!tpu.dma_semaphore, #tpu.memory_space<semaphore_mem>>)
    %dma_start3A_16 = arith.constant 0 : i32
    %dma_start3A_17 = arith.constant 0 : i32
    %dma_start3A_18 = tpu.memref_slice %arg3[%dma_start3A_16, %dma_start3A_17] : memref<16384x256xf32, #tpu.memory_space<hbm>> -> memref<16384x256xf32, #tpu.memory_space<hbm>>
    tpu.enqueue_indirect_dma source(%dma_start3A_18 : memref<16384x256xf32, #tpu.memory_space<hbm>>) target(%arg9 : memref<16x256xf32, #tpu.memory_space<vmem>>) offsets(%get3A_12 : vector<16xi32>) semaphore(%arg18 : memref<!tpu.dma_semaphore, #tpu.memory_space<semaphore_mem>>)
    %scan3A = arith.constant 0 : i32
    %scan3A_19 = arith.constant 0 : i32
    %scan3A_20 = arith.constant 16 : i32
    %scan3A_21 = arith.addi %scan3A_19, %scan3A_20 : i32
    %scan3A_22 = arith.constant 1 : i32
    scf.for %scan3A_31 = %scan3A_19 to %scan3A_21 step %scan3A_22  : i32 {
      %jit3A = arith.constant 3 : i32
      %eq3A = arith.constant 0 : i32
      %eq3A_32 = arith.cmpi eq, %jit3A, %eq3A : i32
      %jit3A_33 = arith.constant 1 : i32
      %select_n3A = arith.select %eq3A_32, %jit3A_33, %jit3A : i32
      %rem3A = arith.remsi %scan3A_31, %select_n3A : i32
      %ne3A = arith.constant 0 : i32
      %ne3A_34 = arith.cmpi ne, %rem3A, %ne3A : i32
      %lt3A = arith.constant 0 : i32
      %lt3A_35 = arith.cmpi slt, %rem3A, %lt3A : i32
      %lt3A_36 = arith.constant 0 : i32
      %lt3A_37 = arith.cmpi slt, %select_n3A, %lt3A_36 : i32
      %ne3A_38 = arith.xori %lt3A_35, %lt3A_37 : i1
      %and3A = arith.andi %ne3A_38, %ne3A_34 : i1
      %add3A_39 = arith.addi %rem3A, %select_n3A : i32
      %select_n3A_40 = arith.select %and3A, %add3A_39, %rem3A : i32
      %eq3A_41 = arith.constant 0 : i32
      %eq3A_42 = arith.cmpi eq, %select_n3A_40, %eq3A_41 : i32
      %convert_element_type3A = arith.extui %eq3A_42 : i1 to i32
      %cond3A = arith.constant 0 : i32
      %cond3A_43 = arith.cmpi ne, %convert_element_type3A, %cond3A : i32
      scf.if %cond3A_43 {
        %ge3A = arith.constant 1 : i32
        %ge3A_86 = arith.cmpi sge, %scan3A_31, %ge3A : i32
        %convert_element_type3A_87 = arith.extui %ge3A_86 : i1 to i32
        %cond3A_88 = arith.constant 0 : i32
        %cond3A_89 = arith.cmpi ne, %convert_element_type3A_87, %cond3A_88 : i32
        scf.if %cond3A_89 {
          %dma_wait3A_117 = arith.constant 0 : i32
          %dma_wait3A_118 = tpu.memref_slice %arg6[%mul3A_2, %dma_wait3A_117] : memref<8192x2048xf32, #tpu.memory_space<hbm>> -> memref<16x2048xf32, #tpu.memory_space<hbm>>
          %dma_wait3A_119 = arith.constant 0 : i32
          %dma_wait3A_120 = tpu.memref_slice %arg6[%mul3A_2, %dma_wait3A_119] : memref<8192x2048xf32, #tpu.memory_space<hbm>> -> memref<16x2048xf32, #tpu.memory_space<hbm>>
          tpu.wait_dma2 semaphore(%arg22 : memref<!tpu.dma_semaphore, #tpu.memory_space<semaphore_mem>>) src(%arg13 : memref<16x2048xf32, #tpu.memory_space<vmem>>) dst(%dma_wait3A_120 : memref<16x2048xf32, #tpu.memory_space<hbm>>)
          %dma_wait3A_121 = arith.constant 0 : i32
          %dma_wait3A_122 = tpu.memref_slice %arg5[%mul3A_2, %dma_wait3A_121] : memref<8192x256xf32, #tpu.memory_space<hbm>> -> memref<16x256xf32, #tpu.memory_space<hbm>>
          %dma_wait3A_123 = arith.constant 0 : i32
          %dma_wait3A_124 = tpu.memref_slice %arg5[%mul3A_2, %dma_wait3A_123] : memref<8192x256xf32, #tpu.memory_space<hbm>> -> memref<16x256xf32, #tpu.memory_space<hbm>>
          tpu.wait_dma2 semaphore(%arg25 : memref<!tpu.dma_semaphore, #tpu.memory_space<semaphore_mem>>) src(%arg10 : memref<16x256xf32, #tpu.memory_space<vmem>>) dst(%dma_wait3A_124 : memref<16x256xf32, #tpu.memory_space<hbm>>)
        } else {
        }
        %add3A_90 = arith.constant 2 : i32
        %add3A_91 = arith.addi %scan3A_31, %add3A_90 : i32
        %lt3A_92 = arith.constant 16 : i32
        %lt3A_93 = arith.cmpi slt, %add3A_91, %lt3A_92 : i32
        %convert_element_type3A_94 = arith.extui %lt3A_93 : i1 to i32
        %cond3A_95 = arith.constant 0 : i32
        %cond3A_96 = arith.cmpi ne, %convert_element_type3A_94, %cond3A_95 : i32
        scf.if %cond3A_96 {
          %add3A_117 = arith.constant 2 : i32
          %add3A_118 = arith.addi %scan3A_31, %add3A_117 : i32
          %mul3A_119 = arith.constant 16 : i32
          %mul3A_120 = arith.muli %add3A_118, %mul3A_119 : i32
          %get3A_121 = arith.index_cast %mul3A_120 : i32 to index
          %get3A_122 = tpu.vector_load %arg7[%get3A_121] {strides = array<i32>} : memref<256xi32, #tpu.memory_space<vmem>>, vector<16xi32>,
          %get3A_123 = vector.shape_cast %get3A_122 : vector<16xi32> to vector<16xi32>
          %dma_start3A_124 = arith.constant 0 : i32
          %dma_start3A_125 = arith.constant 0 : i32
          %dma_start3A_126 = tpu.memref_slice %arg4[%dma_start3A_124, %dma_start3A_125] : memref<16384x2048xf32, #tpu.memory_space<hbm>> -> memref<16384x2048xf32, #tpu.memory_space<hbm>>
          tpu.enqueue_indirect_dma source(%dma_start3A_126 : memref<16384x2048xf32, #tpu.memory_space<hbm>>) target(%arg13 : memref<16x2048xf32, #tpu.memory_space<vmem>>) offsets(%get3A_123 : vector<16xi32>) semaphore(%arg16 : memref<!tpu.dma_semaphore, #tpu.memory_space<semaphore_mem>>)
          %dma_start3A_127 = arith.constant 0 : i32
          %dma_start3A_128 = arith.constant 0 : i32
          %dma_start3A_129 = tpu.memref_slice %arg3[%dma_start3A_127, %dma_start3A_128] : memref<16384x256xf32, #tpu.memory_space<hbm>> -> memref<16384x256xf32, #tpu.memory_space<hbm>>
          tpu.enqueue_indirect_dma source(%dma_start3A_129 : memref<16384x256xf32, #tpu.memory_space<hbm>>) target(%arg10 : memref<16x256xf32, #tpu.memory_space<vmem>>) offsets(%get3A_123 : vector<16xi32>) semaphore(%arg19 : memref<!tpu.dma_semaphore, #tpu.memory_space<semaphore_mem>>)
        } else {
        }
        %get3A_97 = arith.constant 0 : index
        %get3A_98 = tpu.vector_load %arg7[%get3A_97] {strides = array<i32>} : memref<256xi32, #tpu.memory_space<vmem>>, vector<16xi32>,
        %get3A_99 = vector.shape_cast %get3A_98 : vector<16xi32> to vector<16xi32>
        %dma_wait3A_100 = arith.constant 0 : i32
        %dma_wait3A_101 = arith.constant 0 : i32
        %dma_wait3A_102 = tpu.memref_slice %arg4[%dma_wait3A_100, %dma_wait3A_101] : memref<16384x2048xf32, #tpu.memory_space<hbm>> -> memref<16384x2048xf32, #tpu.memory_space<hbm>>
        tpu.wait_indirect_dma semaphore(%arg14 : memref<!tpu.dma_semaphore, #tpu.memory_space<semaphore_mem>>) src(%dma_wait3A_102 : memref<16384x2048xf32, #tpu.memory_space<hbm>>) dst(%arg11 : memref<16x2048xf32, #tpu.memory_space<vmem>>)
        %dma_wait3A_103 = arith.constant 0 : i32
        %dma_wait3A_104 = arith.constant 0 : i32
        %dma_wait3A_105 = tpu.memref_slice %arg3[%dma_wait3A_103, %dma_wait3A_104] : memref<16384x256xf32, #tpu.memory_space<hbm>> -> memref<16384x256xf32, #tpu.memory_space<hbm>>
        tpu.wait_indirect_dma semaphore(%arg17 : memref<!tpu.dma_semaphore, #tpu.memory_space<semaphore_mem>>) src(%dma_wait3A_105 : memref<16384x256xf32, #tpu.memory_space<hbm>>) dst(%arg8 : memref<16x256xf32, #tpu.memory_space<vmem>>)
        %mul3A_106 = arith.constant 16 : i32
        %mul3A_107 = arith.muli %scan3A_31, %mul3A_106 : i32
        %add3A_108 = arith.addi %mul3A_2, %mul3A_107 : i32
        %dma_start3A_109 = arith.constant 0 : i32
        %dma_start3A_110 = tpu.memref_slice %arg6[%add3A_108, %dma_start3A_109] : memref<8192x2048xf32, #tpu.memory_space<hbm>> -> memref<16x2048xf32, #tpu.memory_space<hbm>>
        %dma_start3A_111 = arith.constant 0 : i32
        %dma_start3A_112 = tpu.memref_slice %arg6[%add3A_108, %dma_start3A_111] : memref<8192x2048xf32, #tpu.memory_space<hbm>> -> memref<16x2048xf32, #tpu.memory_space<hbm>>
        tpu.enqueue_dma source(%arg11 : memref<16x2048xf32, #tpu.memory_space<vmem>>) target(%dma_start3A_112 : memref<16x2048xf32, #tpu.memory_space<hbm>>) target_semaphore(%arg20 : memref<!tpu.dma_semaphore, #tpu.memory_space<semaphore_mem>>)
        %dma_start3A_113 = arith.constant 0 : i32
        %dma_start3A_114 = tpu.memref_slice %arg5[%add3A_108, %dma_start3A_113] : memref<8192x256xf32, #tpu.memory_space<hbm>> -> memref<16x256xf32, #tpu.memory_space<hbm>>
        %dma_start3A_115 = arith.constant 0 : i32
        %dma_start3A_116 = tpu.memref_slice %arg5[%add3A_108, %dma_start3A_115] : memref<8192x256xf32, #tpu.memory_space<hbm>> -> memref<16x256xf32, #tpu.memory_space<hbm>>
        tpu.enqueue_dma source(%arg8 : memref<16x256xf32, #tpu.memory_space<vmem>>) target(%dma_start3A_116 : memref<16x256xf32, #tpu.memory_space<hbm>>) target_semaphore(%arg23 : memref<!tpu.dma_semaphore, #tpu.memory_space<semaphore_mem>>)
      } else {
      }
      %jit3A_44 = arith.constant 3 : i32
      %eq3A_45 = arith.constant 0 : i32
      %eq3A_46 = arith.cmpi eq, %jit3A_44, %eq3A_45 : i32
      %jit3A_47 = arith.constant 1 : i32
      %select_n3A_48 = arith.select %eq3A_46, %jit3A_47, %jit3A_44 : i32
      %rem3A_49 = arith.remsi %scan3A_31, %select_n3A_48 : i32
      %ne3A_50 = arith.constant 0 : i32
      %ne3A_51 = arith.cmpi ne, %rem3A_49, %ne3A_50 : i32
      %lt3A_52 = arith.constant 0 : i32
      %lt3A_53 = arith.cmpi slt, %rem3A_49, %lt3A_52 : i32
      %lt3A_54 = arith.constant 0 : i32
      %lt3A_55 = arith.cmpi slt, %select_n3A_48, %lt3A_54 : i32
      %ne3A_56 = arith.xori %lt3A_53, %lt3A_55 : i1
      %and3A_57 = arith.andi %ne3A_56, %ne3A_51 : i1
      %add3A_58 = arith.addi %rem3A_49, %select_n3A_48 : i32
      %select_n3A_59 = arith.select %and3A_57, %add3A_58, %rem3A_49 : i32
      %eq3A_60 = arith.constant 1 : i32
      %eq3A_61 = arith.cmpi eq, %select_n3A_59, %eq3A_60 : i32
      %convert_element_type3A_62 = arith.extui %eq3A_61 : i1 to i32
      %cond3A_63 = arith.constant 0 : i32
      %cond3A_64 = arith.cmpi ne, %convert_element_type3A_62, %cond3A_63 : i32
      scf.if %cond3A_64 {
        %ge3A = arith.constant 1 : i32
        %ge3A_86 = arith.cmpi sge, %scan3A_31, %ge3A : i32
        %convert_element_type3A_87 = arith.extui %ge3A_86 : i1 to i32
        %cond3A_88 = arith.constant 0 : i32
        %cond3A_89 = arith.cmpi ne, %convert_element_type3A_87, %cond3A_88 : i32
        scf.if %cond3A_89 {
          %dma_wait3A_117 = arith.constant 0 : i32
          %dma_wait3A_118 = tpu.memref_slice %arg6[%mul3A_2, %dma_wait3A_117] : memref<8192x2048xf32, #tpu.memory_space<hbm>> -> memref<16x2048xf32, #tpu.memory_space<hbm>>
          %dma_wait3A_119 = arith.constant 0 : i32
          %dma_wait3A_120 = tpu.memref_slice %arg6[%mul3A_2, %dma_wait3A_119] : memref<8192x2048xf32, #tpu.memory_space<hbm>> -> memref<16x2048xf32, #tpu.memory_space<hbm>>
          tpu.wait_dma2 semaphore(%arg20 : memref<!tpu.dma_semaphore, #tpu.memory_space<semaphore_mem>>) src(%arg11 : memref<16x2048xf32, #tpu.memory_space<vmem>>) dst(%dma_wait3A_120 : memref<16x2048xf32, #tpu.memory_space<hbm>>)
          %dma_wait3A_121 = arith.constant 0 : i32
          %dma_wait3A_122 = tpu.memref_slice %arg5[%mul3A_2, %dma_wait3A_121] : memref<8192x256xf32, #tpu.memory_space<hbm>> -> memref<16x256xf32, #tpu.memory_space<hbm>>
          %dma_wait3A_123 = arith.constant 0 : i32
          %dma_wait3A_124 = tpu.memref_slice %arg5[%mul3A_2, %dma_wait3A_123] : memref<8192x256xf32, #tpu.memory_space<hbm>> -> memref<16x256xf32, #tpu.memory_space<hbm>>
          tpu.wait_dma2 semaphore(%arg23 : memref<!tpu.dma_semaphore, #tpu.memory_space<semaphore_mem>>) src(%arg8 : memref<16x256xf32, #tpu.memory_space<vmem>>) dst(%dma_wait3A_124 : memref<16x256xf32, #tpu.memory_space<hbm>>)
        } else {
        }
        %add3A_90 = arith.constant 2 : i32
        %add3A_91 = arith.addi %scan3A_31, %add3A_90 : i32
        %lt3A_92 = arith.constant 16 : i32
        %lt3A_93 = arith.cmpi slt, %add3A_91, %lt3A_92 : i32
        %convert_element_type3A_94 = arith.extui %lt3A_93 : i1 to i32
        %cond3A_95 = arith.constant 0 : i32
        %cond3A_96 = arith.cmpi ne, %convert_element_type3A_94, %cond3A_95 : i32
        scf.if %cond3A_96 {
          %add3A_117 = arith.constant 2 : i32
          %add3A_118 = arith.addi %scan3A_31, %add3A_117 : i32
          %mul3A_119 = arith.constant 16 : i32
          %mul3A_120 = arith.muli %add3A_118, %mul3A_119 : i32
          %get3A_121 = arith.index_cast %mul3A_120 : i32 to index
          %get3A_122 = tpu.vector_load %arg7[%get3A_121] {strides = array<i32>} : memref<256xi32, #tpu.memory_space<vmem>>, vector<16xi32>,
          %get3A_123 = vector.shape_cast %get3A_122 : vector<16xi32> to vector<16xi32>
          %dma_start3A_124 = arith.constant 0 : i32
          %dma_start3A_125 = arith.constant 0 : i32
          %dma_start3A_126 = tpu.memref_slice %arg4[%dma_start3A_124, %dma_start3A_125] : memref<16384x2048xf32, #tpu.memory_space<hbm>> -> memref<16384x2048xf32, #tpu.memory_space<hbm>>
          tpu.enqueue_indirect_dma source(%dma_start3A_126 : memref<16384x2048xf32, #tpu.memory_space<hbm>>) target(%arg11 : memref<16x2048xf32, #tpu.memory_space<vmem>>) offsets(%get3A_123 : vector<16xi32>) semaphore(%arg14 : memref<!tpu.dma_semaphore, #tpu.memory_space<semaphore_mem>>)
          %dma_start3A_127 = arith.constant 0 : i32
          %dma_start3A_128 = arith.constant 0 : i32
          %dma_start3A_129 = tpu.memref_slice %arg3[%dma_start3A_127, %dma_start3A_128] : memref<16384x256xf32, #tpu.memory_space<hbm>> -> memref<16384x256xf32, #tpu.memory_space<hbm>>
          tpu.enqueue_indirect_dma source(%dma_start3A_129 : memref<16384x256xf32, #tpu.memory_space<hbm>>) target(%arg8 : memref<16x256xf32, #tpu.memory_space<vmem>>) offsets(%get3A_123 : vector<16xi32>) semaphore(%arg17 : memref<!tpu.dma_semaphore, #tpu.memory_space<semaphore_mem>>)
        } else {
        }
        %get3A_97 = arith.constant 0 : index
        %get3A_98 = tpu.vector_load %arg7[%get3A_97] {strides = array<i32>} : memref<256xi32, #tpu.memory_space<vmem>>, vector<16xi32>,
        %get3A_99 = vector.shape_cast %get3A_98 : vector<16xi32> to vector<16xi32>
        %dma_wait3A_100 = arith.constant 0 : i32
        %dma_wait3A_101 = arith.constant 0 : i32
        %dma_wait3A_102 = tpu.memref_slice %arg4[%dma_wait3A_100, %dma_wait3A_101] : memref<16384x2048xf32, #tpu.memory_space<hbm>> -> memref<16384x2048xf32, #tpu.memory_space<hbm>>
        tpu.wait_indirect_dma semaphore(%arg15 : memref<!tpu.dma_semaphore, #tpu.memory_space<semaphore_mem>>) src(%dma_wait3A_102 : memref<16384x2048xf32, #tpu.memory_space<hbm>>) dst(%arg12 : memref<16x2048xf32, #tpu.memory_space<vmem>>)
        %dma_wait3A_103 = arith.constant 0 : i32
        %dma_wait3A_104 = arith.constant 0 : i32
        %dma_wait3A_105 = tpu.memref_slice %arg3[%dma_wait3A_103, %dma_wait3A_104] : memref<16384x256xf32, #tpu.memory_space<hbm>> -> memref<16384x256xf32, #tpu.memory_space<hbm>>
        tpu.wait_indirect_dma semaphore(%arg18 : memref<!tpu.dma_semaphore, #tpu.memory_space<semaphore_mem>>) src(%dma_wait3A_105 : memref<16384x256xf32, #tpu.memory_space<hbm>>) dst(%arg9 : memref<16x256xf32, #tpu.memory_space<vmem>>)
        %mul3A_106 = arith.constant 16 : i32
        %mul3A_107 = arith.muli %scan3A_31, %mul3A_106 : i32
        %add3A_108 = arith.addi %mul3A_2, %mul3A_107 : i32
        %dma_start3A_109 = arith.constant 0 : i32
        %dma_start3A_110 = tpu.memref_slice %arg6[%add3A_108, %dma_start3A_109] : memref<8192x2048xf32, #tpu.memory_space<hbm>> -> memref<16x2048xf32, #tpu.memory_space<hbm>>
        %dma_start3A_111 = arith.constant 0 : i32
        %dma_start3A_112 = tpu.memref_slice %arg6[%add3A_108, %dma_start3A_111] : memref<8192x2048xf32, #tpu.memory_space<hbm>> -> memref<16x2048xf32, #tpu.memory_space<hbm>>
        tpu.enqueue_dma source(%arg12 : memref<16x2048xf32, #tpu.memory_space<vmem>>) target(%dma_start3A_112 : memref<16x2048xf32, #tpu.memory_space<hbm>>) target_semaphore(%arg21 : memref<!tpu.dma_semaphore, #tpu.memory_space<semaphore_mem>>)
        %dma_start3A_113 = arith.constant 0 : i32
        %dma_start3A_114 = tpu.memref_slice %arg5[%add3A_108, %dma_start3A_113] : memref<8192x256xf32, #tpu.memory_space<hbm>> -> memref<16x256xf32, #tpu.memory_space<hbm>>
        %dma_start3A_115 = arith.constant 0 : i32
        %dma_start3A_116 = tpu.memref_slice %arg5[%add3A_108, %dma_start3A_115] : memref<8192x256xf32, #tpu.memory_space<hbm>> -> memref<16x256xf32, #tpu.memory_space<hbm>>
        tpu.enqueue_dma source(%arg9 : memref<16x256xf32, #tpu.memory_space<vmem>>) target(%dma_start3A_116 : memref<16x256xf32, #tpu.memory_space<hbm>>) target_semaphore(%arg24 : memref<!tpu.dma_semaphore, #tpu.memory_space<semaphore_mem>>)
      } else {
      }
      %jit3A_65 = arith.constant 3 : i32
      %eq3A_66 = arith.constant 0 : i32
      %eq3A_67 = arith.cmpi eq, %jit3A_65, %eq3A_66 : i32
      %jit3A_68 = arith.constant 1 : i32
      %select_n3A_69 = arith.select %eq3A_67, %jit3A_68, %jit3A_65 : i32
      %rem3A_70 = arith.remsi %scan3A_31, %select_n3A_69 : i32
      %ne3A_71 = arith.constant 0 : i32
      %ne3A_72 = arith.cmpi ne, %rem3A_70, %ne3A_71 : i32
      %lt3A_73 = arith.constant 0 : i32
      %lt3A_74 = arith.cmpi slt, %rem3A_70, %lt3A_73 : i32
      %lt3A_75 = arith.constant 0 : i32
      %lt3A_76 = arith.cmpi slt, %select_n3A_69, %lt3A_75 : i32
      %ne3A_77 = arith.xori %lt3A_74, %lt3A_76 : i1
      %and3A_78 = arith.andi %ne3A_77, %ne3A_72 : i1
      %add3A_79 = arith.addi %rem3A_70, %select_n3A_69 : i32
      %select_n3A_80 = arith.select %and3A_78, %add3A_79, %rem3A_70 : i32
      %eq3A_81 = arith.constant 2 : i32
      %eq3A_82 = arith.cmpi eq, %select_n3A_80, %eq3A_81 : i32
      %convert_element_type3A_83 = arith.extui %eq3A_82 : i1 to i32
      %cond3A_84 = arith.constant 0 : i32
      %cond3A_85 = arith.cmpi ne, %convert_element_type3A_83, %cond3A_84 : i32
      scf.if %cond3A_85 {
        %ge3A = arith.constant 1 : i32
        %ge3A_86 = arith.cmpi sge, %scan3A_31, %ge3A : i32
        %convert_element_type3A_87 = arith.extui %ge3A_86 : i1 to i32
        %cond3A_88 = arith.constant 0 : i32
        %cond3A_89 = arith.cmpi ne, %convert_element_type3A_87, %cond3A_88 : i32
        scf.if %cond3A_89 {
          %dma_wait3A_117 = arith.constant 0 : i32
          %dma_wait3A_118 = tpu.memref_slice %arg6[%mul3A_2, %dma_wait3A_117] : memref<8192x2048xf32, #tpu.memory_space<hbm>> -> memref<16x2048xf32, #tpu.memory_space<hbm>>
          %dma_wait3A_119 = arith.constant 0 : i32
          %dma_wait3A_120 = tpu.memref_slice %arg6[%mul3A_2, %dma_wait3A_119] : memref<8192x2048xf32, #tpu.memory_space<hbm>> -> memref<16x2048xf32, #tpu.memory_space<hbm>>
          tpu.wait_dma2 semaphore(%arg21 : memref<!tpu.dma_semaphore, #tpu.memory_space<semaphore_mem>>) src(%arg12 : memref<16x2048xf32, #tpu.memory_space<vmem>>) dst(%dma_wait3A_120 : memref<16x2048xf32, #tpu.memory_space<hbm>>)
          %dma_wait3A_121 = arith.constant 0 : i32
          %dma_wait3A_122 = tpu.memref_slice %arg5[%mul3A_2, %dma_wait3A_121] : memref<8192x256xf32, #tpu.memory_space<hbm>> -> memref<16x256xf32, #tpu.memory_space<hbm>>
          %dma_wait3A_123 = arith.constant 0 : i32
          %dma_wait3A_124 = tpu.memref_slice %arg5[%mul3A_2, %dma_wait3A_123] : memref<8192x256xf32, #tpu.memory_space<hbm>> -> memref<16x256xf32, #tpu.memory_space<hbm>>
          tpu.wait_dma2 semaphore(%arg24 : memref<!tpu.dma_semaphore, #tpu.memory_space<semaphore_mem>>) src(%arg9 : memref<16x256xf32, #tpu.memory_space<vmem>>) dst(%dma_wait3A_124 : memref<16x256xf32, #tpu.memory_space<hbm>>)
        } else {
        }
        %add3A_90 = arith.constant 2 : i32
        %add3A_91 = arith.addi %scan3A_31, %add3A_90 : i32
        %lt3A_92 = arith.constant 16 : i32
        %lt3A_93 = arith.cmpi slt, %add3A_91, %lt3A_92 : i32
        %convert_element_type3A_94 = arith.extui %lt3A_93 : i1 to i32
        %cond3A_95 = arith.constant 0 : i32
        %cond3A_96 = arith.cmpi ne, %convert_element_type3A_94, %cond3A_95 : i32
        scf.if %cond3A_96 {
          %add3A_117 = arith.constant 2 : i32
          %add3A_118 = arith.addi %scan3A_31, %add3A_117 : i32
          %mul3A_119 = arith.constant 16 : i32
          %mul3A_120 = arith.muli %add3A_118, %mul3A_119 : i32
          %get3A_121 = arith.index_cast %mul3A_120 : i32 to index
          %get3A_122 = tpu.vector_load %arg7[%get3A_121] {strides = array<i32>} : memref<256xi32, #tpu.memory_space<vmem>>, vector<16xi32>,
          %get3A_123 = vector.shape_cast %get3A_122 : vector<16xi32> to vector<16xi32>
          %dma_start3A_124 = arith.constant 0 : i32
          %dma_start3A_125 = arith.constant 0 : i32
          %dma_start3A_126 = tpu.memref_slice %arg4[%dma_start3A_124, %dma_start3A_125] : memref<16384x2048xf32, #tpu.memory_space<hbm>> -> memref<16384x2048xf32, #tpu.memory_space<hbm>>
          tpu.enqueue_indirect_dma source(%dma_start3A_126 : memref<16384x2048xf32, #tpu.memory_space<hbm>>) target(%arg12 : memref<16x2048xf32, #tpu.memory_space<vmem>>) offsets(%get3A_123 : vector<16xi32>) semaphore(%arg15 : memref<!tpu.dma_semaphore, #tpu.memory_space<semaphore_mem>>)
          %dma_start3A_127 = arith.constant 0 : i32
          %dma_start3A_128 = arith.constant 0 : i32
          %dma_start3A_129 = tpu.memref_slice %arg3[%dma_start3A_127, %dma_start3A_128] : memref<16384x256xf32, #tpu.memory_space<hbm>> -> memref<16384x256xf32, #tpu.memory_space<hbm>>
          tpu.enqueue_indirect_dma source(%dma_start3A_129 : memref<16384x256xf32, #tpu.memory_space<hbm>>) target(%arg9 : memref<16x256xf32, #tpu.memory_space<vmem>>) offsets(%get3A_123 : vector<16xi32>) semaphore(%arg18 : memref<!tpu.dma_semaphore, #tpu.memory_space<semaphore_mem>>)
        } else {
        }
        %get3A_97 = arith.constant 0 : index
        %get3A_98 = tpu.vector_load %arg7[%get3A_97] {strides = array<i32>} : memref<256xi32, #tpu.memory_space<vmem>>, vector<16xi32>,
        %get3A_99 = vector.shape_cast %get3A_98 : vector<16xi32> to vector<16xi32>
        %dma_wait3A_100 = arith.constant 0 : i32
        %dma_wait3A_101 = arith.constant 0 : i32
        %dma_wait3A_102 = tpu.memref_slice %arg4[%dma_wait3A_100, %dma_wait3A_101] : memref<16384x2048xf32, #tpu.memory_space<hbm>> -> memref<16384x2048xf32, #tpu.memory_space<hbm>>
        tpu.wait_indirect_dma semaphore(%arg16 : memref<!tpu.dma_semaphore, #tpu.memory_space<semaphore_mem>>) src(%dma_wait3A_102 : memref<16384x2048xf32, #tpu.memory_space<hbm>>) dst(%arg13 : memref<16x2048xf32, #tpu.memory_space<vmem>>)
        %dma_wait3A_103 = arith.constant 0 : i32
        %dma_wait3A_104 = arith.constant 0 : i32
        %dma_wait3A_105 = tpu.memref_slice %arg3[%dma_wait3A_103, %dma_wait3A_104] : memref<16384x256xf32, #tpu.memory_space<hbm>> -> memref<16384x256xf32, #tpu.memory_space<hbm>>
        tpu.wait_indirect_dma semaphore(%arg19 : memref<!tpu.dma_semaphore, #tpu.memory_space<semaphore_mem>>) src(%dma_wait3A_105 : memref<16384x256xf32, #tpu.memory_space<hbm>>) dst(%arg10 : memref<16x256xf32, #tpu.memory_space<vmem>>)
        %mul3A_106 = arith.constant 16 : i32
        %mul3A_107 = arith.muli %scan3A_31, %mul3A_106 : i32
        %add3A_108 = arith.addi %mul3A_2, %mul3A_107 : i32
        %dma_start3A_109 = arith.constant 0 : i32
        %dma_start3A_110 = tpu.memref_slice %arg6[%add3A_108, %dma_start3A_109] : memref<8192x2048xf32, #tpu.memory_space<hbm>> -> memref<16x2048xf32, #tpu.memory_space<hbm>>
        %dma_start3A_111 = arith.constant 0 : i32
        %dma_start3A_112 = tpu.memref_slice %arg6[%add3A_108, %dma_start3A_111] : memref<8192x2048xf32, #tpu.memory_space<hbm>> -> memref<16x2048xf32, #tpu.memory_space<hbm>>
        tpu.enqueue_dma source(%arg13 : memref<16x2048xf32, #tpu.memory_space<vmem>>) target(%dma_start3A_112 : memref<16x2048xf32, #tpu.memory_space<hbm>>) target_semaphore(%arg22 : memref<!tpu.dma_semaphore, #tpu.memory_space<semaphore_mem>>)
        %dma_start3A_113 = arith.constant 0 : i32
        %dma_start3A_114 = tpu.memref_slice %arg5[%add3A_108, %dma_start3A_113] : memref<8192x256xf32, #tpu.memory_space<hbm>> -> memref<16x256xf32, #tpu.memory_space<hbm>>
        %dma_start3A_115 = arith.constant 0 : i32
        %dma_start3A_116 = tpu.memref_slice %arg5[%add3A_108, %dma_start3A_115] : memref<8192x256xf32, #tpu.memory_space<hbm>> -> memref<16x256xf32, #tpu.memory_space<hbm>>
        tpu.enqueue_dma source(%arg10 : memref<16x256xf32, #tpu.memory_space<vmem>>) target(%dma_start3A_116 : memref<16x256xf32, #tpu.memory_space<hbm>>) target_semaphore(%arg25 : memref<!tpu.dma_semaphore, #tpu.memory_space<semaphore_mem>>)
      } else {
      }
    }
    %scan3A_23 = arith.constant 16 : i32
    %dma_wait3A = arith.constant 0 : i32
    %dma_wait3A_24 = tpu.memref_slice %arg6[%mul3A_2, %dma_wait3A] : memref<8192x2048xf32, #tpu.memory_space<hbm>> -> memref<16x2048xf32, #tpu.memory_space<hbm>>
    %dma_wait3A_25 = arith.constant 0 : i32
    %dma_wait3A_26 = tpu.memref_slice %arg6[%mul3A_2, %dma_wait3A_25] : memref<8192x2048xf32, #tpu.memory_space<hbm>> -> memref<16x2048xf32, #tpu.memory_space<hbm>>
    tpu.wait_dma2 semaphore(%arg20 : memref<!tpu.dma_semaphore, #tpu.memory_space<semaphore_mem>>) src(%arg11 : memref<16x2048xf32, #tpu.memory_space<vmem>>) dst(%dma_wait3A_26 : memref<16x2048xf32, #tpu.memory_space<hbm>>)
    %dma_wait3A_27 = arith.constant 0 : i32
    %dma_wait3A_28 = tpu.memref_slice %arg5[%mul3A_2, %dma_wait3A_27] : memref<8192x256xf32, #tpu.memory_space<hbm>> -> memref<16x256xf32, #tpu.memory_space<hbm>>
    %dma_wait3A_29 = arith.constant 0 : i32
    %dma_wait3A_30 = tpu.memref_slice %arg5[%mul3A_2, %dma_wait3A_29] : memref<8192x256xf32, #tpu.memory_space<hbm>> -> memref<16x256xf32, #tpu.memory_space<hbm>>
    tpu.wait_dma2 semaphore(%arg23 : memref<!tpu.dma_semaphore, #tpu.memory_space<semaphore_mem>>) src(%arg8 : memref<16x256xf32, #tpu.memory_space<vmem>>) dst(%dma_wait3A_30 : memref<16x256xf32, #tpu.memory_space<hbm>>)
    return
  }
}

module attributes {stable_mosaic.version = 14 : i64} {
  func.func @_tc_body(%arg0: i32, %arg1: i32, %arg2: memref<8x2048x256xf32, #tpu.memory_space<any>>, %arg3: memref<1x1x1024xi32, #tpu.memory_space<vmem>>, %arg4: memref<8x2048xi32, #tpu.memory_space<vmem>>, %arg5: memref<8x128xi32, #tpu.memory_space<vmem>>, %arg6: memref<8x128xi32, #tpu.memory_space<vmem>>, %arg7: memref<128x128xf32, #tpu.memory_space<vmem>>, %arg8: memref<16x16xf32, #tpu.memory_space<vmem>>, %arg9: memref<2x2048x256xf32, #tpu.memory_space<vmem>>, %arg10: memref<2x4x!tpu.dma_semaphore, #tpu.memory_space<semaphore_mem>>) attributes {dimension_semantics = [#tpu.dimension_semantics<arbitrary>, #tpu.dimension_semantics<arbitrary>], iteration_bounds = array<i64: 2, 8>, scalar_prefetch = 0 : i64, scratch_operands = 7 : i64, tpu.core_type = #tpu.core_type<tc>, window_params = [{}, {transform_indices = @transform_1, window_bounds = array<i64: 1, 1, 1024>}]} {
    %eq3A = arith.constant 0 : i32
    %eq3A_0 = arith.cmpi eq, %arg0, %eq3A : i32
    %convert_element_type3A = arith.extui %eq3A_0 : i1 to i32
    %cond3A = arith.constant 0 : i32
    %cond3A_1 = arith.cmpi ne, %convert_element_type3A, %cond3A : i32
    scf.if %cond3A_1 {
      %eq3A_7 = arith.constant 0 : i32
      %eq3A_8 = arith.cmpi eq, %arg1, %eq3A_7 : i32
      %convert_element_type3A_9 = arith.extui %eq3A_8 : i1 to i32
      %cond3A_10 = arith.constant 0 : i32
      %cond3A_11 = arith.cmpi ne, %convert_element_type3A_9, %cond3A_10 : i32
      scf.if %cond3A_11 {
        %dma_start3A = arith.constant 0 : i32
        %dma_start3A_52 = arith.constant 0 : i32
        %dma_start3A_53 = arith.constant 0 : i32
        %dma_start3A_54 = arith.constant 0 : i32
        %dma_start3A_55 = tpu.memref_slice %arg10[%dma_start3A_53, %dma_start3A_54] : memref<2x4x!tpu.dma_semaphore, #tpu.memory_space<semaphore_mem>> -> memref<1x1x!tpu.dma_semaphore, #tpu.memory_space<semaphore_mem>>
        %dma_start3A_56 = tpu.memref_squeeze %dma_start3A_55 : memref<1x1x!tpu.dma_semaphore, #tpu.memory_space<semaphore_mem>> -> memref<!tpu.dma_semaphore, #tpu.memory_space<semaphore_mem>>
        %dma_start3A_57 = arith.constant 0 : i32
        %dma_start3A_58 = arith.constant 0 : i32
        %dma_start3A_59 = tpu.memref_slice %arg9[%dma_start3A_52, %dma_start3A_57, %dma_start3A_58] : memref<2x2048x256xf32, #tpu.memory_space<vmem>> -> memref<1x512x256xf32, #tpu.memory_space<vmem>>
        %dma_start3A_60 = tpu.memref_squeeze %dma_start3A_59 : memref<1x512x256xf32, #tpu.memory_space<vmem>> -> memref<512x256xf32, #tpu.memory_space<vmem>>
        %dma_start3A_61 = arith.constant 0 : i32
        %dma_start3A_62 = arith.constant 0 : i32
        %dma_start3A_63 = tpu.memref_slice %arg2[%dma_start3A, %dma_start3A_61, %dma_start3A_62] : memref<8x2048x256xf32, #tpu.memory_space<any>> -> memref<1x512x256xf32, #tpu.memory_space<any>>
        %dma_start3A_64 = tpu.memref_squeeze %dma_start3A_63 : memref<1x512x256xf32, #tpu.memory_space<any>> -> memref<512x256xf32, #tpu.memory_space<any>>
        tpu.enqueue_dma source(%dma_start3A_64 : memref<512x256xf32, #tpu.memory_space<any>>) target(%dma_start3A_60 : memref<512x256xf32, #tpu.memory_space<vmem>>) target_semaphore(%dma_start3A_56 : memref<!tpu.dma_semaphore, #tpu.memory_space<semaphore_mem>>)
        %dma_start3A_65 = arith.constant 0 : i32
        %dma_start3A_66 = arith.constant 0 : i32
        %dma_start3A_67 = arith.constant 0 : i32
        %dma_start3A_68 = arith.constant 1 : i32
        %dma_start3A_69 = tpu.memref_slice %arg10[%dma_start3A_67, %dma_start3A_68] : memref<2x4x!tpu.dma_semaphore, #tpu.memory_space<semaphore_mem>> -> memref<1x1x!tpu.dma_semaphore, #tpu.memory_space<semaphore_mem>>
        %dma_start3A_70 = tpu.memref_squeeze %dma_start3A_69 : memref<1x1x!tpu.dma_semaphore, #tpu.memory_space<semaphore_mem>> -> memref<!tpu.dma_semaphore, #tpu.memory_space<semaphore_mem>>
        %dma_start3A_71 = arith.constant 512 : i32
        %dma_start3A_72 = arith.constant 0 : i32
        %dma_start3A_73 = tpu.memref_slice %arg9[%dma_start3A_66, %dma_start3A_71, %dma_start3A_72] : memref<2x2048x256xf32, #tpu.memory_space<vmem>> -> memref<1x512x256xf32, #tpu.memory_space<vmem>>
        %dma_start3A_74 = tpu.memref_squeeze %dma_start3A_73 : memref<1x512x256xf32, #tpu.memory_space<vmem>> -> memref<512x256xf32, #tpu.memory_space<vmem>>
        %dma_start3A_75 = arith.constant 512 : i32
        %dma_start3A_76 = arith.constant 0 : i32
        %dma_start3A_77 = tpu.memref_slice %arg2[%dma_start3A_65, %dma_start3A_75, %dma_start3A_76] : memref<8x2048x256xf32, #tpu.memory_space<any>> -> memref<1x512x256xf32, #tpu.memory_space<any>>
        %dma_start3A_78 = tpu.memref_squeeze %dma_start3A_77 : memref<1x512x256xf32, #tpu.memory_space<any>> -> memref<512x256xf32, #tpu.memory_space<any>>
        tpu.enqueue_dma source(%dma_start3A_78 : memref<512x256xf32, #tpu.memory_space<any>>) target(%dma_start3A_74 : memref<512x256xf32, #tpu.memory_space<vmem>>) target_semaphore(%dma_start3A_70 : memref<!tpu.dma_semaphore, #tpu.memory_space<semaphore_mem>>)
        %dma_start3A_79 = arith.constant 0 : i32
        %dma_start3A_80 = arith.constant 0 : i32
        %dma_start3A_81 = arith.constant 0 : i32
        %dma_start3A_82 = arith.constant 2 : i32
        %dma_start3A_83 = tpu.memref_slice %arg10[%dma_start3A_81, %dma_start3A_82] : memref<2x4x!tpu.dma_semaphore, #tpu.memory_space<semaphore_mem>> -> memref<1x1x!tpu.dma_semaphore, #tpu.memory_space<semaphore_mem>>
        %dma_start3A_84 = tpu.memref_squeeze %dma_start3A_83 : memref<1x1x!tpu.dma_semaphore, #tpu.memory_space<semaphore_mem>> -> memref<!tpu.dma_semaphore, #tpu.memory_space<semaphore_mem>>
        %dma_start3A_85 = arith.constant 1024 : i32
        %dma_start3A_86 = arith.constant 0 : i32
        %dma_start3A_87 = tpu.memref_slice %arg9[%dma_start3A_80, %dma_start3A_85, %dma_start3A_86] : memref<2x2048x256xf32, #tpu.memory_space<vmem>> -> memref<1x512x256xf32, #tpu.memory_space<vmem>>
        %dma_start3A_88 = tpu.memref_squeeze %dma_start3A_87 : memref<1x512x256xf32, #tpu.memory_space<vmem>> -> memref<512x256xf32, #tpu.memory_space<vmem>>
        %dma_start3A_89 = arith.constant 1024 : i32
        %dma_start3A_90 = arith.constant 0 : i32
        %dma_start3A_91 = tpu.memref_slice %arg2[%dma_start3A_79, %dma_start3A_89, %dma_start3A_90] : memref<8x2048x256xf32, #tpu.memory_space<any>> -> memref<1x512x256xf32, #tpu.memory_space<any>>
        %dma_start3A_92 = tpu.memref_squeeze %dma_start3A_91 : memref<1x512x256xf32, #tpu.memory_space<any>> -> memref<512x256xf32, #tpu.memory_space<any>>
        tpu.enqueue_dma source(%dma_start3A_92 : memref<512x256xf32, #tpu.memory_space<any>>) target(%dma_start3A_88 : memref<512x256xf32, #tpu.memory_space<vmem>>) target_semaphore(%dma_start3A_84 : memref<!tpu.dma_semaphore, #tpu.memory_space<semaphore_mem>>)
        %dma_start3A_93 = arith.constant 0 : i32
        %dma_start3A_94 = arith.constant 0 : i32
        %dma_start3A_95 = arith.constant 0 : i32
        %dma_start3A_96 = arith.constant 3 : i32
        %dma_start3A_97 = tpu.memref_slice %arg10[%dma_start3A_95, %dma_start3A_96] : memref<2x4x!tpu.dma_semaphore, #tpu.memory_space<semaphore_mem>> -> memref<1x1x!tpu.dma_semaphore, #tpu.memory_space<semaphore_mem>>
        %dma_start3A_98 = tpu.memref_squeeze %dma_start3A_97 : memref<1x1x!tpu.dma_semaphore, #tpu.memory_space<semaphore_mem>> -> memref<!tpu.dma_semaphore, #tpu.memory_space<semaphore_mem>>
        %dma_start3A_99 = arith.constant 1536 : i32
        %dma_start3A_100 = arith.constant 0 : i32
        %dma_start3A_101 = tpu.memref_slice %arg9[%dma_start3A_94, %dma_start3A_99, %dma_start3A_100] : memref<2x2048x256xf32, #tpu.memory_space<vmem>> -> memref<1x512x256xf32, #tpu.memory_space<vmem>>
        %dma_start3A_102 = tpu.memref_squeeze %dma_start3A_101 : memref<1x512x256xf32, #tpu.memory_space<vmem>> -> memref<512x256xf32, #tpu.memory_space<vmem>>
        %dma_start3A_103 = arith.constant 1536 : i32
        %dma_start3A_104 = arith.constant 0 : i32
        %dma_start3A_105 = tpu.memref_slice %arg2[%dma_start3A_93, %dma_start3A_103, %dma_start3A_104] : memref<8x2048x256xf32, #tpu.memory_space<any>> -> memref<1x512x256xf32, #tpu.memory_space<any>>
        %dma_start3A_106 = tpu.memref_squeeze %dma_start3A_105 : memref<1x512x256xf32, #tpu.memory_space<any>> -> memref<512x256xf32, #tpu.memory_space<any>>
        tpu.enqueue_dma source(%dma_start3A_106 : memref<512x256xf32, #tpu.memory_space<any>>) target(%dma_start3A_102 : memref<512x256xf32, #tpu.memory_space<vmem>>) target_semaphore(%dma_start3A_98 : memref<!tpu.dma_semaphore, #tpu.memory_space<semaphore_mem>>)
        %iota3A = tpu.iota {dimensions = array<i32: 0>} : vector<128x128xi32>
        %iota3A_107 = tpu.iota {dimensions = array<i32: 1>} : vector<128x128xi32>
        %le3A = arith.cmpi sle, %iota3A, %iota3A_107 : vector<128x128xi32>
        %convert_element_type3A_108 = arith.extui %le3A : vector<128x128xi1> to vector<128x128xi32>
        %convert_element_type3A_109 = arith.sitofp %convert_element_type3A_108 : vector<128x128xi32> to vector<128x128xf32>
        %swap3A = arith.constant 0 : index
        %swap3A_110 = arith.constant 0 : index
        %swap3A_111 = vector.load %arg7[%swap3A, %swap3A_110] : memref<128x128xf32, #tpu.memory_space<vmem>>, vector<128x128xf32>
        tpu.vector_store %arg7[%swap3A, %swap3A_110], %convert_element_type3A_109 {strides = array<i32>} : memref<128x128xf32, #tpu.memory_space<vmem>>, vector<128x128xf32>,
        %iota3A_112 = tpu.iota {dimensions = array<i32: 0>} : vector<16x16xi32>
        %iota3A_113 = tpu.iota {dimensions = array<i32: 1>} : vector<16x16xi32>
        %lt3A_114 = arith.cmpi slt, %iota3A_112, %iota3A_113 : vector<16x16xi32>
        %convert_element_type3A_115 = arith.extui %lt3A_114 : vector<16x16xi1> to vector<16x16xi32>
        %convert_element_type3A_116 = arith.sitofp %convert_element_type3A_115 : vector<16x16xi32> to vector<16x16xf32>
        %swap3A_117 = arith.constant 0 : index
        %swap3A_118 = arith.constant 0 : index
        %swap3A_119 = vector.load %arg8[%swap3A_117, %swap3A_118] : memref<16x16xf32, #tpu.memory_space<vmem>>, vector<16x16xf32>
        tpu.vector_store %arg8[%swap3A_117, %swap3A_118], %convert_element_type3A_116 {strides = array<i32>} : memref<16x16xf32, #tpu.memory_space<vmem>>, vector<16x16xf32>,
      } else {
      }
      %jit3A = arith.constant 2 : i32
      %eq3A_12 = arith.constant 0 : i32
      %eq3A_13 = arith.cmpi eq, %jit3A, %eq3A_12 : i32
      %jit3A_14 = arith.constant 1 : i32
      %select_n3A = arith.select %eq3A_13, %jit3A_14, %jit3A : i32
      %rem3A = arith.remsi %arg1, %select_n3A : i32
      %ne3A = arith.constant 0 : i32
      %ne3A_15 = arith.cmpi ne, %rem3A, %ne3A : i32
      %lt3A = arith.constant 0 : i32
      %lt3A_16 = arith.cmpi slt, %rem3A, %lt3A : i32
      %lt3A_17 = arith.constant 0 : i32
      %lt3A_18 = arith.cmpi slt, %select_n3A, %lt3A_17 : i32
      %ne3A_19 = arith.xori %lt3A_16, %lt3A_18 : i1
      %and3A = arith.andi %ne3A_19, %ne3A_15 : i1
      %add3A = arith.addi %rem3A, %select_n3A : i32
      %select_n3A_20 = arith.select %and3A, %add3A, %rem3A : i32
      %eq3A_21 = arith.constant 0 : i32
      %eq3A_22 = arith.cmpi eq, %select_n3A_20, %eq3A_21 : i32
      %convert_element_type3A_23 = arith.extui %eq3A_22 : i1 to i32
      %cond3A_24 = arith.constant 0 : i32
      %cond3A_25 = arith.cmpi ne, %convert_element_type3A_23, %cond3A_24 : i32
      scf.if %cond3A_25 {
        %dma_wait3A = arith.constant 0 : i32
        %dma_wait3A_52 = arith.constant 0 : i32
        %dma_wait3A_53 = arith.constant 0 : i32
        %dma_wait3A_54 = tpu.memref_slice %arg10[%dma_wait3A_52, %dma_wait3A_53] : memref<2x4x!tpu.dma_semaphore, #tpu.memory_space<semaphore_mem>> -> memref<1x1x!tpu.dma_semaphore, #tpu.memory_space<semaphore_mem>>
        %dma_wait3A_55 = tpu.memref_squeeze %dma_wait3A_54 : memref<1x1x!tpu.dma_semaphore, #tpu.memory_space<semaphore_mem>> -> memref<!tpu.dma_semaphore, #tpu.memory_space<semaphore_mem>>
        %dma_wait3A_56 = arith.constant 0 : i32
        %dma_wait3A_57 = arith.constant 0 : i32
        %dma_wait3A_58 = tpu.memref_slice %arg9[%dma_wait3A, %dma_wait3A_56, %dma_wait3A_57] : memref<2x2048x256xf32, #tpu.memory_space<vmem>> -> memref<1x512x256xf32, #tpu.memory_space<vmem>>
        %dma_wait3A_59 = tpu.memref_squeeze %dma_wait3A_58 : memref<1x512x256xf32, #tpu.memory_space<vmem>> -> memref<512x256xf32, #tpu.memory_space<vmem>>
        %dma_wait3A_60 = arith.constant 0 : i32
        %dma_wait3A_61 = arith.constant 0 : i32
        %dma_wait3A_62 = tpu.memref_slice %arg2[%arg1, %dma_wait3A_60, %dma_wait3A_61] : memref<8x2048x256xf32, #tpu.memory_space<any>> -> memref<1x512x256xf32, #tpu.memory_space<any>>
        %dma_wait3A_63 = tpu.memref_squeeze %dma_wait3A_62 : memref<1x512x256xf32, #tpu.memory_space<any>> -> memref<512x256xf32, #tpu.memory_space<any>>
        tpu.wait_dma2 semaphore(%dma_wait3A_55 : memref<!tpu.dma_semaphore, #tpu.memory_space<semaphore_mem>>) src(%dma_wait3A_63 : memref<512x256xf32, #tpu.memory_space<any>>) dst(%dma_wait3A_59 : memref<512x256xf32, #tpu.memory_space<vmem>>)
        %dma_wait3A_64 = arith.constant 0 : i32
        %dma_wait3A_65 = arith.constant 0 : i32
        %dma_wait3A_66 = arith.constant 1 : i32
        %dma_wait3A_67 = tpu.memref_slice %arg10[%dma_wait3A_65, %dma_wait3A_66] : memref<2x4x!tpu.dma_semaphore, #tpu.memory_space<semaphore_mem>> -> memref<1x1x!tpu.dma_semaphore, #tpu.memory_space<semaphore_mem>>
        %dma_wait3A_68 = tpu.memref_squeeze %dma_wait3A_67 : memref<1x1x!tpu.dma_semaphore, #tpu.memory_space<semaphore_mem>> -> memref<!tpu.dma_semaphore, #tpu.memory_space<semaphore_mem>>
        %dma_wait3A_69 = arith.constant 512 : i32
        %dma_wait3A_70 = arith.constant 0 : i32
        %dma_wait3A_71 = tpu.memref_slice %arg9[%dma_wait3A_64, %dma_wait3A_69, %dma_wait3A_70] : memref<2x2048x256xf32, #tpu.memory_space<vmem>> -> memref<1x512x256xf32, #tpu.memory_space<vmem>>
        %dma_wait3A_72 = tpu.memref_squeeze %dma_wait3A_71 : memref<1x512x256xf32, #tpu.memory_space<vmem>> -> memref<512x256xf32, #tpu.memory_space<vmem>>
        %dma_wait3A_73 = arith.constant 512 : i32
        %dma_wait3A_74 = arith.constant 0 : i32
        %dma_wait3A_75 = tpu.memref_slice %arg2[%arg1, %dma_wait3A_73, %dma_wait3A_74] : memref<8x2048x256xf32, #tpu.memory_space<any>> -> memref<1x512x256xf32, #tpu.memory_space<any>>
        %dma_wait3A_76 = tpu.memref_squeeze %dma_wait3A_75 : memref<1x512x256xf32, #tpu.memory_space<any>> -> memref<512x256xf32, #tpu.memory_space<any>>
        tpu.wait_dma2 semaphore(%dma_wait3A_68 : memref<!tpu.dma_semaphore, #tpu.memory_space<semaphore_mem>>) src(%dma_wait3A_76 : memref<512x256xf32, #tpu.memory_space<any>>) dst(%dma_wait3A_72 : memref<512x256xf32, #tpu.memory_space<vmem>>)
        %dma_wait3A_77 = arith.constant 0 : i32
        %dma_wait3A_78 = arith.constant 0 : i32
        %dma_wait3A_79 = arith.constant 2 : i32
        %dma_wait3A_80 = tpu.memref_slice %arg10[%dma_wait3A_78, %dma_wait3A_79] : memref<2x4x!tpu.dma_semaphore, #tpu.memory_space<semaphore_mem>> -> memref<1x1x!tpu.dma_semaphore, #tpu.memory_space<semaphore_mem>>
        %dma_wait3A_81 = tpu.memref_squeeze %dma_wait3A_80 : memref<1x1x!tpu.dma_semaphore, #tpu.memory_space<semaphore_mem>> -> memref<!tpu.dma_semaphore, #tpu.memory_space<semaphore_mem>>
        %dma_wait3A_82 = arith.constant 1024 : i32
        %dma_wait3A_83 = arith.constant 0 : i32
        %dma_wait3A_84 = tpu.memref_slice %arg9[%dma_wait3A_77, %dma_wait3A_82, %dma_wait3A_83] : memref<2x2048x256xf32, #tpu.memory_space<vmem>> -> memref<1x512x256xf32, #tpu.memory_space<vmem>>
        %dma_wait3A_85 = tpu.memref_squeeze %dma_wait3A_84 : memref<1x512x256xf32, #tpu.memory_space<vmem>> -> memref<512x256xf32, #tpu.memory_space<vmem>>
        %dma_wait3A_86 = arith.constant 1024 : i32
        %dma_wait3A_87 = arith.constant 0 : i32
        %dma_wait3A_88 = tpu.memref_slice %arg2[%arg1, %dma_wait3A_86, %dma_wait3A_87] : memref<8x2048x256xf32, #tpu.memory_space<any>> -> memref<1x512x256xf32, #tpu.memory_space<any>>
        %dma_wait3A_89 = tpu.memref_squeeze %dma_wait3A_88 : memref<1x512x256xf32, #tpu.memory_space<any>> -> memref<512x256xf32, #tpu.memory_space<any>>
        tpu.wait_dma2 semaphore(%dma_wait3A_81 : memref<!tpu.dma_semaphore, #tpu.memory_space<semaphore_mem>>) src(%dma_wait3A_89 : memref<512x256xf32, #tpu.memory_space<any>>) dst(%dma_wait3A_85 : memref<512x256xf32, #tpu.memory_space<vmem>>)
        %dma_wait3A_90 = arith.constant 0 : i32
        %dma_wait3A_91 = arith.constant 0 : i32
        %dma_wait3A_92 = arith.constant 3 : i32
        %dma_wait3A_93 = tpu.memref_slice %arg10[%dma_wait3A_91, %dma_wait3A_92] : memref<2x4x!tpu.dma_semaphore, #tpu.memory_space<semaphore_mem>> -> memref<1x1x!tpu.dma_semaphore, #tpu.memory_space<semaphore_mem>>
        %dma_wait3A_94 = tpu.memref_squeeze %dma_wait3A_93 : memref<1x1x!tpu.dma_semaphore, #tpu.memory_space<semaphore_mem>> -> memref<!tpu.dma_semaphore, #tpu.memory_space<semaphore_mem>>
        %dma_wait3A_95 = arith.constant 1536 : i32
        %dma_wait3A_96 = arith.constant 0 : i32
        %dma_wait3A_97 = tpu.memref_slice %arg9[%dma_wait3A_90, %dma_wait3A_95, %dma_wait3A_96] : memref<2x2048x256xf32, #tpu.memory_space<vmem>> -> memref<1x512x256xf32, #tpu.memory_space<vmem>>
        %dma_wait3A_98 = tpu.memref_squeeze %dma_wait3A_97 : memref<1x512x256xf32, #tpu.memory_space<vmem>> -> memref<512x256xf32, #tpu.memory_space<vmem>>
        %dma_wait3A_99 = arith.constant 1536 : i32
        %dma_wait3A_100 = arith.constant 0 : i32
        %dma_wait3A_101 = tpu.memref_slice %arg2[%arg1, %dma_wait3A_99, %dma_wait3A_100] : memref<8x2048x256xf32, #tpu.memory_space<any>> -> memref<1x512x256xf32, #tpu.memory_space<any>>
        %dma_wait3A_102 = tpu.memref_squeeze %dma_wait3A_101 : memref<1x512x256xf32, #tpu.memory_space<any>> -> memref<512x256xf32, #tpu.memory_space<any>>
        tpu.wait_dma2 semaphore(%dma_wait3A_94 : memref<!tpu.dma_semaphore, #tpu.memory_space<semaphore_mem>>) src(%dma_wait3A_102 : memref<512x256xf32, #tpu.memory_space<any>>) dst(%dma_wait3A_98 : memref<512x256xf32, #tpu.memory_space<vmem>>)
        %add3A_103 = arith.constant 1 : i32
        %add3A_104 = arith.addi %arg1, %add3A_103 : i32
        %lt3A_105 = arith.constant 8 : i32
        %lt3A_106 = arith.cmpi slt, %add3A_104, %lt3A_105 : i32
        %convert_element_type3A_107 = arith.extui %lt3A_106 : i1 to i32
        %cond3A_108 = arith.constant 0 : i32
        %cond3A_109 = arith.cmpi ne, %convert_element_type3A_107, %cond3A_108 : i32
        scf.if %cond3A_109 {
          %add3A_166 = arith.constant 1 : i32
          %add3A_167 = arith.addi %arg1, %add3A_166 : i32
          %dma_start3A = arith.constant 1 : i32
          %dma_start3A_168 = arith.constant 1 : i32
          %dma_start3A_169 = arith.constant 0 : i32
          %dma_start3A_170 = tpu.memref_slice %arg10[%dma_start3A_168, %dma_start3A_169] : memref<2x4x!tpu.dma_semaphore, #tpu.memory_space<semaphore_mem>> -> memref<1x1x!tpu.dma_semaphore, #tpu.memory_space<semaphore_mem>>
          %dma_start3A_171 = tpu.memref_squeeze %dma_start3A_170 : memref<1x1x!tpu.dma_semaphore, #tpu.memory_space<semaphore_mem>> -> memref<!tpu.dma_semaphore, #tpu.memory_space<semaphore_mem>>
          %dma_start3A_172 = arith.constant 0 : i32
          %dma_start3A_173 = arith.constant 0 : i32
          %dma_start3A_174 = tpu.memref_slice %arg9[%dma_start3A, %dma_start3A_172, %dma_start3A_173] : memref<2x2048x256xf32, #tpu.memory_space<vmem>> -> memref<1x512x256xf32, #tpu.memory_space<vmem>>
          %dma_start3A_175 = tpu.memref_squeeze %dma_start3A_174 : memref<1x512x256xf32, #tpu.memory_space<vmem>> -> memref<512x256xf32, #tpu.memory_space<vmem>>
          %dma_start3A_176 = arith.constant 0 : i32
          %dma_start3A_177 = arith.constant 0 : i32
          %dma_start3A_178 = tpu.memref_slice %arg2[%add3A_167, %dma_start3A_176, %dma_start3A_177] : memref<8x2048x256xf32, #tpu.memory_space<any>> -> memref<1x512x256xf32, #tpu.memory_space<any>>
          %dma_start3A_179 = tpu.memref_squeeze %dma_start3A_178 : memref<1x512x256xf32, #tpu.memory_space<any>> -> memref<512x256xf32, #tpu.memory_space<any>>
          tpu.enqueue_dma source(%dma_start3A_179 : memref<512x256xf32, #tpu.memory_space<any>>) target(%dma_start3A_175 : memref<512x256xf32, #tpu.memory_space<vmem>>) target_semaphore(%dma_start3A_171 : memref<!tpu.dma_semaphore, #tpu.memory_space<semaphore_mem>>)
          %dma_start3A_180 = arith.constant 1 : i32
          %dma_start3A_181 = arith.constant 1 : i32
          %dma_start3A_182 = arith.constant 1 : i32
          %dma_start3A_183 = tpu.memref_slice %arg10[%dma_start3A_181, %dma_start3A_182] : memref<2x4x!tpu.dma_semaphore, #tpu.memory_space<semaphore_mem>> -> memref<1x1x!tpu.dma_semaphore, #tpu.memory_space<semaphore_mem>>
          %dma_start3A_184 = tpu.memref_squeeze %dma_start3A_183 : memref<1x1x!tpu.dma_semaphore, #tpu.memory_space<semaphore_mem>> -> memref<!tpu.dma_semaphore, #tpu.memory_space<semaphore_mem>>
          %dma_start3A_185 = arith.constant 512 : i32
          %dma_start3A_186 = arith.constant 0 : i32
          %dma_start3A_187 = tpu.memref_slice %arg9[%dma_start3A_180, %dma_start3A_185, %dma_start3A_186] : memref<2x2048x256xf32, #tpu.memory_space<vmem>> -> memref<1x512x256xf32, #tpu.memory_space<vmem>>
          %dma_start3A_188 = tpu.memref_squeeze %dma_start3A_187 : memref<1x512x256xf32, #tpu.memory_space<vmem>> -> memref<512x256xf32, #tpu.memory_space<vmem>>
          %dma_start3A_189 = arith.constant 512 : i32
          %dma_start3A_190 = arith.constant 0 : i32
          %dma_start3A_191 = tpu.memref_slice %arg2[%add3A_167, %dma_start3A_189, %dma_start3A_190] : memref<8x2048x256xf32, #tpu.memory_space<any>> -> memref<1x512x256xf32, #tpu.memory_space<any>>
          %dma_start3A_192 = tpu.memref_squeeze %dma_start3A_191 : memref<1x512x256xf32, #tpu.memory_space<any>> -> memref<512x256xf32, #tpu.memory_space<any>>
          tpu.enqueue_dma source(%dma_start3A_192 : memref<512x256xf32, #tpu.memory_space<any>>) target(%dma_start3A_188 : memref<512x256xf32, #tpu.memory_space<vmem>>) target_semaphore(%dma_start3A_184 : memref<!tpu.dma_semaphore, #tpu.memory_space<semaphore_mem>>)
          %dma_start3A_193 = arith.constant 1 : i32
          %dma_start3A_194 = arith.constant 1 : i32
          %dma_start3A_195 = arith.constant 2 : i32
          %dma_start3A_196 = tpu.memref_slice %arg10[%dma_start3A_194, %dma_start3A_195] : memref<2x4x!tpu.dma_semaphore, #tpu.memory_space<semaphore_mem>> -> memref<1x1x!tpu.dma_semaphore, #tpu.memory_space<semaphore_mem>>
          %dma_start3A_197 = tpu.memref_squeeze %dma_start3A_196 : memref<1x1x!tpu.dma_semaphore, #tpu.memory_space<semaphore_mem>> -> memref<!tpu.dma_semaphore, #tpu.memory_space<semaphore_mem>>
          %dma_start3A_198 = arith.constant 1024 : i32
          %dma_start3A_199 = arith.constant 0 : i32
          %dma_start3A_200 = tpu.memref_slice %arg9[%dma_start3A_193, %dma_start3A_198, %dma_start3A_199] : memref<2x2048x256xf32, #tpu.memory_space<vmem>> -> memref<1x512x256xf32, #tpu.memory_space<vmem>>
          %dma_start3A_201 = tpu.memref_squeeze %dma_start3A_200 : memref<1x512x256xf32, #tpu.memory_space<vmem>> -> memref<512x256xf32, #tpu.memory_space<vmem>>
          %dma_start3A_202 = arith.constant 1024 : i32
          %dma_start3A_203 = arith.constant 0 : i32
          %dma_start3A_204 = tpu.memref_slice %arg2[%add3A_167, %dma_start3A_202, %dma_start3A_203] : memref<8x2048x256xf32, #tpu.memory_space<any>> -> memref<1x512x256xf32, #tpu.memory_space<any>>
          %dma_start3A_205 = tpu.memref_squeeze %dma_start3A_204 : memref<1x512x256xf32, #tpu.memory_space<any>> -> memref<512x256xf32, #tpu.memory_space<any>>
          tpu.enqueue_dma source(%dma_start3A_205 : memref<512x256xf32, #tpu.memory_space<any>>) target(%dma_start3A_201 : memref<512x256xf32, #tpu.memory_space<vmem>>) target_semaphore(%dma_start3A_197 : memref<!tpu.dma_semaphore, #tpu.memory_space<semaphore_mem>>)
          %dma_start3A_206 = arith.constant 1 : i32
          %dma_start3A_207 = arith.constant 1 : i32
          %dma_start3A_208 = arith.constant 3 : i32
          %dma_start3A_209 = tpu.memref_slice %arg10[%dma_start3A_207, %dma_start3A_208] : memref<2x4x!tpu.dma_semaphore, #tpu.memory_space<semaphore_mem>> -> memref<1x1x!tpu.dma_semaphore, #tpu.memory_space<semaphore_mem>>
          %dma_start3A_210 = tpu.memref_squeeze %dma_start3A_209 : memref<1x1x!tpu.dma_semaphore, #tpu.memory_space<semaphore_mem>> -> memref<!tpu.dma_semaphore, #tpu.memory_space<semaphore_mem>>
          %dma_start3A_211 = arith.constant 1536 : i32
          %dma_start3A_212 = arith.constant 0 : i32
          %dma_start3A_213 = tpu.memref_slice %arg9[%dma_start3A_206, %dma_start3A_211, %dma_start3A_212] : memref<2x2048x256xf32, #tpu.memory_space<vmem>> -> memref<1x512x256xf32, #tpu.memory_space<vmem>>
          %dma_start3A_214 = tpu.memref_squeeze %dma_start3A_213 : memref<1x512x256xf32, #tpu.memory_space<vmem>> -> memref<512x256xf32, #tpu.memory_space<vmem>>
          %dma_start3A_215 = arith.constant 1536 : i32
          %dma_start3A_216 = arith.constant 0 : i32
          %dma_start3A_217 = tpu.memref_slice %arg2[%add3A_167, %dma_start3A_215, %dma_start3A_216] : memref<8x2048x256xf32, #tpu.memory_space<any>> -> memref<1x512x256xf32, #tpu.memory_space<any>>
          %dma_start3A_218 = tpu.memref_squeeze %dma_start3A_217 : memref<1x512x256xf32, #tpu.memory_space<any>> -> memref<512x256xf32, #tpu.memory_space<any>>
          tpu.enqueue_dma source(%dma_start3A_218 : memref<512x256xf32, #tpu.memory_space<any>>) target(%dma_start3A_214 : memref<512x256xf32, #tpu.memory_space<vmem>>) target_semaphore(%dma_start3A_210 : memref<!tpu.dma_semaphore, #tpu.memory_space<semaphore_mem>>)
        } else {
        }
        %get3A = arith.constant 0 : index
        %get3A_110 = arith.constant 0 : index
        %get3A_111 = arith.constant 0 : index
        %get3A_112 = vector.load %arg9[%get3A, %get3A_110, %get3A_111] : memref<2x2048x256xf32, #tpu.memory_space<vmem>>, vector<1x2048x256xf32>
        %get3A_113 = vector.shape_cast %get3A_112 : vector<1x2048x256xf32> to vector<2048x256xf32>
        %convert_element_type3A_114 = arith.truncf %get3A_113 : vector<2048x256xf32> to vector<2048x256xbf16>
        %convert_element_type3A_115 = arith.extf %convert_element_type3A_114 : vector<2048x256xbf16> to vector<2048x256xf32>
        %reduce_sum3A = arith.constant dense<0.000000e+00> : vector<256xf32>
        %reduce_sum3A_116 = vector.multi_reduction <add>, %convert_element_type3A_115, %reduce_sum3A [0] : vector<2048x256xf32> to vector<256xf32>
        %reshape3A = vector.shape_cast %reduce_sum3A_116 : vector<256xf32> to vector<1x256xf32>
        %mul3A = vector.broadcast %reshape3A : vector<1x256xf32> to vector<2048x256xf32>
        %mul3A_117 = arith.mulf %convert_element_type3A_115, %mul3A : vector<2048x256xf32>
        %reduce_sum3A_118 = arith.constant dense<0.000000e+00> : vector<2048xf32>
        %reduce_sum3A_119 = vector.multi_reduction <add>, %mul3A_117, %reduce_sum3A_118 [1] : vector<2048x256xf32> to vector<2048xf32>
        %bitcast_convert_type3A = tpu.bitcast %reduce_sum3A_119 : vector<2048xf32> -> vector<2048xi32>
        %lt3A_120 = arith.constant 0 : i32
        %lt3A_121 = vector.broadcast %lt3A_120 : i32 to vector<2048xi32>
        %lt3A_122 = arith.cmpi slt, %bitcast_convert_type3A, %lt3A_121 : vector<2048xi32>
        %xor3A = arith.constant 2147483647 : i32
        %xor3A_123 = vector.broadcast %xor3A : i32 to vector<2048xi32>
        %xor3A_124 = arith.xori %bitcast_convert_type3A, %xor3A_123 : vector<2048xi32>
        %select_n3A_125 = arith.select %lt3A_122, %xor3A_124, %bitcast_convert_type3A : vector<2048xi1>, vector<2048xi32>
        %eq3A_126 = arith.constant 0 : i32
        %eq3A_127 = arith.cmpi eq, %arg1, %eq3A_126 : i32
        %convert_element_type3A_128 = arith.extui %eq3A_127 : i1 to i32
        %cond3A_129 = arith.constant 0 : i32
        %cond3A_130 = arith.cmpi ne, %convert_element_type3A_128, %cond3A_129 : i32
        scf.if %cond3A_130 {
          %swap3A = arith.constant 0 : index
          %swap3A_166 = arith.constant 0 : index
          %swap3A_167 = vector.load %arg4[%swap3A, %swap3A_166] : memref<8x2048xi32, #tpu.memory_space<vmem>>, vector<1x2048xi32>
          %swap3A_168 = vector.shape_cast %swap3A_167 : vector<1x2048xi32> to vector<2048xi32>
          %swap3A_169 = vector.shape_cast %select_n3A_125 : vector<2048xi32> to vector<1x2048xi32>
          tpu.vector_store %arg4[%swap3A, %swap3A_166], %swap3A_169 {strides = array<i32>} : memref<8x2048xi32, #tpu.memory_space<vmem>>, vector<1x2048xi32>,
        } else {
        }
        %eq3A_131 = arith.constant 1 : i32
        %eq3A_132 = arith.cmpi eq, %arg1, %eq3A_131 : i32
        %convert_element_type3A_133 = arith.extui %eq3A_132 : i1 to i32
        %cond3A_134 = arith.constant 0 : i32
        %cond3A_135 = arith.cmpi ne, %convert_element_type3A_133, %cond3A_134 : i32
        scf.if %cond3A_135 {
          %swap3A = arith.constant 1 : index
          %swap3A_166 = arith.constant 0 : index
          %swap3A_167 = vector.load %arg4[%swap3A, %swap3A_166] : memref<8x2048xi32, #tpu.memory_space<vmem>>, vector<1x2048xi32>
          %swap3A_168 = vector.shape_cast %swap3A_167 : vector<1x2048xi32> to vector<2048xi32>
          %swap3A_169 = vector.shape_cast %select_n3A_125 : vector<2048xi32> to vector<1x2048xi32>
          tpu.vector_store %arg4[%swap3A, %swap3A_166], %swap3A_169 {strides = array<i32>} : memref<8x2048xi32, #tpu.memory_space<vmem>>, vector<1x2048xi32>,
        } else {
        }
        %eq3A_136 = arith.constant 2 : i32
        %eq3A_137 = arith.cmpi eq, %arg1, %eq3A_136 : i32
        %convert_element_type3A_138 = arith.extui %eq3A_137 : i1 to i32
        %cond3A_139 = arith.constant 0 : i32
        %cond3A_140 = arith.cmpi ne, %convert_element_type3A_138, %cond3A_139 : i32
        scf.if %cond3A_140 {
          %swap3A = arith.constant 2 : index
          %swap3A_166 = arith.constant 0 : index
          %swap3A_167 = vector.load %arg4[%swap3A, %swap3A_166] : memref<8x2048xi32, #tpu.memory_space<vmem>>, vector<1x2048xi32>
          %swap3A_168 = vector.shape_cast %swap3A_167 : vector<1x2048xi32> to vector<2048xi32>
          %swap3A_169 = vector.shape_cast %select_n3A_125 : vector<2048xi32> to vector<1x2048xi32>
          tpu.vector_store %arg4[%swap3A, %swap3A_166], %swap3A_169 {strides = array<i32>} : memref<8x2048xi32, #tpu.memory_space<vmem>>, vector<1x2048xi32>,
        } else {
        }
        %eq3A_141 = arith.constant 3 : i32
        %eq3A_142 = arith.cmpi eq, %arg1, %eq3A_141 : i32
        %convert_element_type3A_143 = arith.extui %eq3A_142 : i1 to i32
        %cond3A_144 = arith.constant 0 : i32
        %cond3A_145 = arith.cmpi ne, %convert_element_type3A_143, %cond3A_144 : i32
        scf.if %cond3A_145 {
          %swap3A = arith.constant 3 : index
          %swap3A_166 = arith.constant 0 : index
          %swap3A_167 = vector.load %arg4[%swap3A, %swap3A_166] : memref<8x2048xi32, #tpu.memory_space<vmem>>, vector<1x2048xi32>
          %swap3A_168 = vector.shape_cast %swap3A_167 : vector<1x2048xi32> to vector<2048xi32>
          %swap3A_169 = vector.shape_cast %select_n3A_125 : vector<2048xi32> to vector<1x2048xi32>
          tpu.vector_store %arg4[%swap3A, %swap3A_166], %swap3A_169 {strides = array<i32>} : memref<8x2048xi32, #tpu.memory_space<vmem>>, vector<1x2048xi32>,
        } else {
        }
        %eq3A_146 = arith.constant 4 : i32
        %eq3A_147 = arith.cmpi eq, %arg1, %eq3A_146 : i32
        %convert_element_type3A_148 = arith.extui %eq3A_147 : i1 to i32
        %cond3A_149 = arith.constant 0 : i32
        %cond3A_150 = arith.cmpi ne, %convert_element_type3A_148, %cond3A_149 : i32
        scf.if %cond3A_150 {
          %swap3A = arith.constant 4 : index
          %swap3A_166 = arith.constant 0 : index
          %swap3A_167 = vector.load %arg4[%swap3A, %swap3A_166] : memref<8x2048xi32, #tpu.memory_space<vmem>>, vector<1x2048xi32>
          %swap3A_168 = vector.shape_cast %swap3A_167 : vector<1x2048xi32> to vector<2048xi32>
          %swap3A_169 = vector.shape_cast %select_n3A_125 : vector<2048xi32> to vector<1x2048xi32>
          tpu.vector_store %arg4[%swap3A, %swap3A_166], %swap3A_169 {strides = array<i32>} : memref<8x2048xi32, #tpu.memory_space<vmem>>, vector<1x2048xi32>,
        } else {
        }
        %eq3A_151 = arith.constant 5 : i32
        %eq3A_152 = arith.cmpi eq, %arg1, %eq3A_151 : i32
        %convert_element_type3A_153 = arith.extui %eq3A_152 : i1 to i32
        %cond3A_154 = arith.constant 0 : i32
        %cond3A_155 = arith.cmpi ne, %convert_element_type3A_153, %cond3A_154 : i32
        scf.if %cond3A_155 {
          %swap3A = arith.constant 5 : index
          %swap3A_166 = arith.constant 0 : index
          %swap3A_167 = vector.load %arg4[%swap3A, %swap3A_166] : memref<8x2048xi32, #tpu.memory_space<vmem>>, vector<1x2048xi32>
          %swap3A_168 = vector.shape_cast %swap3A_167 : vector<1x2048xi32> to vector<2048xi32>
          %swap3A_169 = vector.shape_cast %select_n3A_125 : vector<2048xi32> to vector<1x2048xi32>
          tpu.vector_store %arg4[%swap3A, %swap3A_166], %swap3A_169 {strides = array<i32>} : memref<8x2048xi32, #tpu.memory_space<vmem>>, vector<1x2048xi32>,
        } else {
        }
        %eq3A_156 = arith.constant 6 : i32
        %eq3A_157 = arith.cmpi eq, %arg1, %eq3A_156 : i32
        %convert_element_type3A_158 = arith.extui %eq3A_157 : i1 to i32
        %cond3A_159 = arith.constant 0 : i32
        %cond3A_160 = arith.cmpi ne, %convert_element_type3A_158, %cond3A_159 : i32
        scf.if %cond3A_160 {
          %swap3A = arith.constant 6 : index
          %swap3A_166 = arith.constant 0 : index
          %swap3A_167 = vector.load %arg4[%swap3A, %swap3A_166] : memref<8x2048xi32, #tpu.memory_space<vmem>>, vector<1x2048xi32>
          %swap3A_168 = vector.shape_cast %swap3A_167 : vector<1x2048xi32> to vector<2048xi32>
          %swap3A_169 = vector.shape_cast %select_n3A_125 : vector<2048xi32> to vector<1x2048xi32>
          tpu.vector_store %arg4[%swap3A, %swap3A_166], %swap3A_169 {strides = array<i32>} : memref<8x2048xi32, #tpu.memory_space<vmem>>, vector<1x2048xi32>,
        } else {
        }
        %eq3A_161 = arith.constant 7 : i32
        %eq3A_162 = arith.cmpi eq, %arg1, %eq3A_161 : i32
        %convert_element_type3A_163 = arith.extui %eq3A_162 : i1 to i32
        %cond3A_164 = arith.constant 0 : i32
        %cond3A_165 = arith.cmpi ne, %convert_element_type3A_163, %cond3A_164 : i32
        scf.if %cond3A_165 {
          %swap3A = arith.constant 7 : index
          %swap3A_166 = arith.constant 0 : index
          %swap3A_167 = vector.load %arg4[%swap3A, %swap3A_166] : memref<8x2048xi32, #tpu.memory_space<vmem>>, vector<1x2048xi32>
          %swap3A_168 = vector.shape_cast %swap3A_167 : vector<1x2048xi32> to vector<2048xi32>
          %swap3A_169 = vector.shape_cast %select_n3A_125 : vector<2048xi32> to vector<1x2048xi32>
          tpu.vector_store %arg4[%swap3A, %swap3A_166], %swap3A_169 {strides = array<i32>} : memref<8x2048xi32, #tpu.memory_space<vmem>>, vector<1x2048xi32>,
        } else {
        }
      } else {
      }
      %jit3A_26 = arith.constant 2 : i32
      %eq3A_27 = arith.constant 0 : i32
      %eq3A_28 = arith.cmpi eq, %jit3A_26, %eq3A_27 : i32
      %jit3A_29 = arith.constant 1 : i32
      %select_n3A_30 = arith.select %eq3A_28, %jit3A_29, %jit3A_26 : i32
      %rem3A_31 = arith.remsi %arg1, %select_n3A_30 : i32
      %ne3A_32 = arith.constant 0 : i32
      %ne3A_33 = arith.cmpi ne, %rem3A_31, %ne3A_32 : i32
      %lt3A_34 = arith.constant 0 : i32
      %lt3A_35 = arith.cmpi slt, %rem3A_31, %lt3A_34 : i32
      %lt3A_36 = arith.constant 0 : i32
      %lt3A_37 = arith.cmpi slt, %select_n3A_30, %lt3A_36 : i32
      %ne3A_38 = arith.xori %lt3A_35, %lt3A_37 : i1
      %and3A_39 = arith.andi %ne3A_38, %ne3A_33 : i1
      %add3A_40 = arith.addi %rem3A_31, %select_n3A_30 : i32
      %select_n3A_41 = arith.select %and3A_39, %add3A_40, %rem3A_31 : i32
      %eq3A_42 = arith.constant 1 : i32
      %eq3A_43 = arith.cmpi eq, %select_n3A_41, %eq3A_42 : i32
      %convert_element_type3A_44 = arith.extui %eq3A_43 : i1 to i32
      %cond3A_45 = arith.constant 0 : i32
      %cond3A_46 = arith.cmpi ne, %convert_element_type3A_44, %cond3A_45 : i32
      scf.if %cond3A_46 {
        %dma_wait3A = arith.constant 1 : i32
        %dma_wait3A_52 = arith.constant 1 : i32
        %dma_wait3A_53 = arith.constant 0 : i32
        %dma_wait3A_54 = tpu.memref_slice %arg10[%dma_wait3A_52, %dma_wait3A_53] : memref<2x4x!tpu.dma_semaphore, #tpu.memory_space<semaphore_mem>> -> memref<1x1x!tpu.dma_semaphore, #tpu.memory_space<semaphore_mem>>
        %dma_wait3A_55 = tpu.memref_squeeze %dma_wait3A_54 : memref<1x1x!tpu.dma_semaphore, #tpu.memory_space<semaphore_mem>> -> memref<!tpu.dma_semaphore, #tpu.memory_space<semaphore_mem>>
        %dma_wait3A_56 = arith.constant 0 : i32
        %dma_wait3A_57 = arith.constant 0 : i32
        %dma_wait3A_58 = tpu.memref_slice %arg9[%dma_wait3A, %dma_wait3A_56, %dma_wait3A_57] : memref<2x2048x256xf32, #tpu.memory_space<vmem>> -> memref<1x512x256xf32, #tpu.memory_space<vmem>>
        %dma_wait3A_59 = tpu.memref_squeeze %dma_wait3A_58 : memref<1x512x256xf32, #tpu.memory_space<vmem>> -> memref<512x256xf32, #tpu.memory_space<vmem>>
        %dma_wait3A_60 = arith.constant 0 : i32
        %dma_wait3A_61 = arith.constant 0 : i32
        %dma_wait3A_62 = tpu.memref_slice %arg2[%arg1, %dma_wait3A_60, %dma_wait3A_61] : memref<8x2048x256xf32, #tpu.memory_space<any>> -> memref<1x512x256xf32, #tpu.memory_space<any>>
        %dma_wait3A_63 = tpu.memref_squeeze %dma_wait3A_62 : memref<1x512x256xf32, #tpu.memory_space<any>> -> memref<512x256xf32, #tpu.memory_space<any>>
        tpu.wait_dma2 semaphore(%dma_wait3A_55 : memref<!tpu.dma_semaphore, #tpu.memory_space<semaphore_mem>>) src(%dma_wait3A_63 : memref<512x256xf32, #tpu.memory_space<any>>) dst(%dma_wait3A_59 : memref<512x256xf32, #tpu.memory_space<vmem>>)
        %dma_wait3A_64 = arith.constant 1 : i32
        %dma_wait3A_65 = arith.constant 1 : i32
        %dma_wait3A_66 = arith.constant 1 : i32
        %dma_wait3A_67 = tpu.memref_slice %arg10[%dma_wait3A_65, %dma_wait3A_66] : memref<2x4x!tpu.dma_semaphore, #tpu.memory_space<semaphore_mem>> -> memref<1x1x!tpu.dma_semaphore, #tpu.memory_space<semaphore_mem>>
        %dma_wait3A_68 = tpu.memref_squeeze %dma_wait3A_67 : memref<1x1x!tpu.dma_semaphore, #tpu.memory_space<semaphore_mem>> -> memref<!tpu.dma_semaphore, #tpu.memory_space<semaphore_mem>>
        %dma_wait3A_69 = arith.constant 512 : i32
        %dma_wait3A_70 = arith.constant 0 : i32
        %dma_wait3A_71 = tpu.memref_slice %arg9[%dma_wait3A_64, %dma_wait3A_69, %dma_wait3A_70] : memref<2x2048x256xf32, #tpu.memory_space<vmem>> -> memref<1x512x256xf32, #tpu.memory_space<vmem>>
        %dma_wait3A_72 = tpu.memref_squeeze %dma_wait3A_71 : memref<1x512x256xf32, #tpu.memory_space<vmem>> -> memref<512x256xf32, #tpu.memory_space<vmem>>
        %dma_wait3A_73 = arith.constant 512 : i32
        %dma_wait3A_74 = arith.constant 0 : i32
        %dma_wait3A_75 = tpu.memref_slice %arg2[%arg1, %dma_wait3A_73, %dma_wait3A_74] : memref<8x2048x256xf32, #tpu.memory_space<any>> -> memref<1x512x256xf32, #tpu.memory_space<any>>
        %dma_wait3A_76 = tpu.memref_squeeze %dma_wait3A_75 : memref<1x512x256xf32, #tpu.memory_space<any>> -> memref<512x256xf32, #tpu.memory_space<any>>
        tpu.wait_dma2 semaphore(%dma_wait3A_68 : memref<!tpu.dma_semaphore, #tpu.memory_space<semaphore_mem>>) src(%dma_wait3A_76 : memref<512x256xf32, #tpu.memory_space<any>>) dst(%dma_wait3A_72 : memref<512x256xf32, #tpu.memory_space<vmem>>)
        %dma_wait3A_77 = arith.constant 1 : i32
        %dma_wait3A_78 = arith.constant 1 : i32
        %dma_wait3A_79 = arith.constant 2 : i32
        %dma_wait3A_80 = tpu.memref_slice %arg10[%dma_wait3A_78, %dma_wait3A_79] : memref<2x4x!tpu.dma_semaphore, #tpu.memory_space<semaphore_mem>> -> memref<1x1x!tpu.dma_semaphore, #tpu.memory_space<semaphore_mem>>
        %dma_wait3A_81 = tpu.memref_squeeze %dma_wait3A_80 : memref<1x1x!tpu.dma_semaphore, #tpu.memory_space<semaphore_mem>> -> memref<!tpu.dma_semaphore, #tpu.memory_space<semaphore_mem>>
        %dma_wait3A_82 = arith.constant 1024 : i32
        %dma_wait3A_83 = arith.constant 0 : i32
        %dma_wait3A_84 = tpu.memref_slice %arg9[%dma_wait3A_77, %dma_wait3A_82, %dma_wait3A_83] : memref<2x2048x256xf32, #tpu.memory_space<vmem>> -> memref<1x512x256xf32, #tpu.memory_space<vmem>>
        %dma_wait3A_85 = tpu.memref_squeeze %dma_wait3A_84 : memref<1x512x256xf32, #tpu.memory_space<vmem>> -> memref<512x256xf32, #tpu.memory_space<vmem>>
        %dma_wait3A_86 = arith.constant 1024 : i32
        %dma_wait3A_87 = arith.constant 0 : i32
        %dma_wait3A_88 = tpu.memref_slice %arg2[%arg1, %dma_wait3A_86, %dma_wait3A_87] : memref<8x2048x256xf32, #tpu.memory_space<any>> -> memref<1x512x256xf32, #tpu.memory_space<any>>
        %dma_wait3A_89 = tpu.memref_squeeze %dma_wait3A_88 : memref<1x512x256xf32, #tpu.memory_space<any>> -> memref<512x256xf32, #tpu.memory_space<any>>
        tpu.wait_dma2 semaphore(%dma_wait3A_81 : memref<!tpu.dma_semaphore, #tpu.memory_space<semaphore_mem>>) src(%dma_wait3A_89 : memref<512x256xf32, #tpu.memory_space<any>>) dst(%dma_wait3A_85 : memref<512x256xf32, #tpu.memory_space<vmem>>)
        %dma_wait3A_90 = arith.constant 1 : i32
        %dma_wait3A_91 = arith.constant 1 : i32
        %dma_wait3A_92 = arith.constant 3 : i32
        %dma_wait3A_93 = tpu.memref_slice %arg10[%dma_wait3A_91, %dma_wait3A_92] : memref<2x4x!tpu.dma_semaphore, #tpu.memory_space<semaphore_mem>> -> memref<1x1x!tpu.dma_semaphore, #tpu.memory_space<semaphore_mem>>
        %dma_wait3A_94 = tpu.memref_squeeze %dma_wait3A_93 : memref<1x1x!tpu.dma_semaphore, #tpu.memory_space<semaphore_mem>> -> memref<!tpu.dma_semaphore, #tpu.memory_space<semaphore_mem>>
        %dma_wait3A_95 = arith.constant 1536 : i32
        %dma_wait3A_96 = arith.constant 0 : i32
        %dma_wait3A_97 = tpu.memref_slice %arg9[%dma_wait3A_90, %dma_wait3A_95, %dma_wait3A_96] : memref<2x2048x256xf32, #tpu.memory_space<vmem>> -> memref<1x512x256xf32, #tpu.memory_space<vmem>>
        %dma_wait3A_98 = tpu.memref_squeeze %dma_wait3A_97 : memref<1x512x256xf32, #tpu.memory_space<vmem>> -> memref<512x256xf32, #tpu.memory_space<vmem>>
        %dma_wait3A_99 = arith.constant 1536 : i32
        %dma_wait3A_100 = arith.constant 0 : i32
        %dma_wait3A_101 = tpu.memref_slice %arg2[%arg1, %dma_wait3A_99, %dma_wait3A_100] : memref<8x2048x256xf32, #tpu.memory_space<any>> -> memref<1x512x256xf32, #tpu.memory_space<any>>
        %dma_wait3A_102 = tpu.memref_squeeze %dma_wait3A_101 : memref<1x512x256xf32, #tpu.memory_space<any>> -> memref<512x256xf32, #tpu.memory_space<any>>
        tpu.wait_dma2 semaphore(%dma_wait3A_94 : memref<!tpu.dma_semaphore, #tpu.memory_space<semaphore_mem>>) src(%dma_wait3A_102 : memref<512x256xf32, #tpu.memory_space<any>>) dst(%dma_wait3A_98 : memref<512x256xf32, #tpu.memory_space<vmem>>)
        %add3A_103 = arith.constant 1 : i32
        %add3A_104 = arith.addi %arg1, %add3A_103 : i32
        %lt3A_105 = arith.constant 8 : i32
        %lt3A_106 = arith.cmpi slt, %add3A_104, %lt3A_105 : i32
        %convert_element_type3A_107 = arith.extui %lt3A_106 : i1 to i32
        %cond3A_108 = arith.constant 0 : i32
        %cond3A_109 = arith.cmpi ne, %convert_element_type3A_107, %cond3A_108 : i32
        scf.if %cond3A_109 {
          %add3A_166 = arith.constant 1 : i32
          %add3A_167 = arith.addi %arg1, %add3A_166 : i32
          %dma_start3A = arith.constant 0 : i32
          %dma_start3A_168 = arith.constant 0 : i32
          %dma_start3A_169 = arith.constant 0 : i32
          %dma_start3A_170 = tpu.memref_slice %arg10[%dma_start3A_168, %dma_start3A_169] : memref<2x4x!tpu.dma_semaphore, #tpu.memory_space<semaphore_mem>> -> memref<1x1x!tpu.dma_semaphore, #tpu.memory_space<semaphore_mem>>
          %dma_start3A_171 = tpu.memref_squeeze %dma_start3A_170 : memref<1x1x!tpu.dma_semaphore, #tpu.memory_space<semaphore_mem>> -> memref<!tpu.dma_semaphore, #tpu.memory_space<semaphore_mem>>
          %dma_start3A_172 = arith.constant 0 : i32
          %dma_start3A_173 = arith.constant 0 : i32
          %dma_start3A_174 = tpu.memref_slice %arg9[%dma_start3A, %dma_start3A_172, %dma_start3A_173] : memref<2x2048x256xf32, #tpu.memory_space<vmem>> -> memref<1x512x256xf32, #tpu.memory_space<vmem>>
          %dma_start3A_175 = tpu.memref_squeeze %dma_start3A_174 : memref<1x512x256xf32, #tpu.memory_space<vmem>> -> memref<512x256xf32, #tpu.memory_space<vmem>>
          %dma_start3A_176 = arith.constant 0 : i32
          %dma_start3A_177 = arith.constant 0 : i32
          %dma_start3A_178 = tpu.memref_slice %arg2[%add3A_167, %dma_start3A_176, %dma_start3A_177] : memref<8x2048x256xf32, #tpu.memory_space<any>> -> memref<1x512x256xf32, #tpu.memory_space<any>>
          %dma_start3A_179 = tpu.memref_squeeze %dma_start3A_178 : memref<1x512x256xf32, #tpu.memory_space<any>> -> memref<512x256xf32, #tpu.memory_space<any>>
          tpu.enqueue_dma source(%dma_start3A_179 : memref<512x256xf32, #tpu.memory_space<any>>) target(%dma_start3A_175 : memref<512x256xf32, #tpu.memory_space<vmem>>) target_semaphore(%dma_start3A_171 : memref<!tpu.dma_semaphore, #tpu.memory_space<semaphore_mem>>)
          %dma_start3A_180 = arith.constant 0 : i32
          %dma_start3A_181 = arith.constant 0 : i32
          %dma_start3A_182 = arith.constant 1 : i32
          %dma_start3A_183 = tpu.memref_slice %arg10[%dma_start3A_181, %dma_start3A_182] : memref<2x4x!tpu.dma_semaphore, #tpu.memory_space<semaphore_mem>> -> memref<1x1x!tpu.dma_semaphore, #tpu.memory_space<semaphore_mem>>
          %dma_start3A_184 = tpu.memref_squeeze %dma_start3A_183 : memref<1x1x!tpu.dma_semaphore, #tpu.memory_space<semaphore_mem>> -> memref<!tpu.dma_semaphore, #tpu.memory_space<semaphore_mem>>
          %dma_start3A_185 = arith.constant 512 : i32
          %dma_start3A_186 = arith.constant 0 : i32
          %dma_start3A_187 = tpu.memref_slice %arg9[%dma_start3A_180, %dma_start3A_185, %dma_start3A_186] : memref<2x2048x256xf32, #tpu.memory_space<vmem>> -> memref<1x512x256xf32, #tpu.memory_space<vmem>>
          %dma_start3A_188 = tpu.memref_squeeze %dma_start3A_187 : memref<1x512x256xf32, #tpu.memory_space<vmem>> -> memref<512x256xf32, #tpu.memory_space<vmem>>
          %dma_start3A_189 = arith.constant 512 : i32
          %dma_start3A_190 = arith.constant 0 : i32
          %dma_start3A_191 = tpu.memref_slice %arg2[%add3A_167, %dma_start3A_189, %dma_start3A_190] : memref<8x2048x256xf32, #tpu.memory_space<any>> -> memref<1x512x256xf32, #tpu.memory_space<any>>
          %dma_start3A_192 = tpu.memref_squeeze %dma_start3A_191 : memref<1x512x256xf32, #tpu.memory_space<any>> -> memref<512x256xf32, #tpu.memory_space<any>>
          tpu.enqueue_dma source(%dma_start3A_192 : memref<512x256xf32, #tpu.memory_space<any>>) target(%dma_start3A_188 : memref<512x256xf32, #tpu.memory_space<vmem>>) target_semaphore(%dma_start3A_184 : memref<!tpu.dma_semaphore, #tpu.memory_space<semaphore_mem>>)
          %dma_start3A_193 = arith.constant 0 : i32
          %dma_start3A_194 = arith.constant 0 : i32
          %dma_start3A_195 = arith.constant 2 : i32
          %dma_start3A_196 = tpu.memref_slice %arg10[%dma_start3A_194, %dma_start3A_195] : memref<2x4x!tpu.dma_semaphore, #tpu.memory_space<semaphore_mem>> -> memref<1x1x!tpu.dma_semaphore, #tpu.memory_space<semaphore_mem>>
          %dma_start3A_197 = tpu.memref_squeeze %dma_start3A_196 : memref<1x1x!tpu.dma_semaphore, #tpu.memory_space<semaphore_mem>> -> memref<!tpu.dma_semaphore, #tpu.memory_space<semaphore_mem>>
          %dma_start3A_198 = arith.constant 1024 : i32
          %dma_start3A_199 = arith.constant 0 : i32
          %dma_start3A_200 = tpu.memref_slice %arg9[%dma_start3A_193, %dma_start3A_198, %dma_start3A_199] : memref<2x2048x256xf32, #tpu.memory_space<vmem>> -> memref<1x512x256xf32, #tpu.memory_space<vmem>>
          %dma_start3A_201 = tpu.memref_squeeze %dma_start3A_200 : memref<1x512x256xf32, #tpu.memory_space<vmem>> -> memref<512x256xf32, #tpu.memory_space<vmem>>
          %dma_start3A_202 = arith.constant 1024 : i32
          %dma_start3A_203 = arith.constant 0 : i32
          %dma_start3A_204 = tpu.memref_slice %arg2[%add3A_167, %dma_start3A_202, %dma_start3A_203] : memref<8x2048x256xf32, #tpu.memory_space<any>> -> memref<1x512x256xf32, #tpu.memory_space<any>>
          %dma_start3A_205 = tpu.memref_squeeze %dma_start3A_204 : memref<1x512x256xf32, #tpu.memory_space<any>> -> memref<512x256xf32, #tpu.memory_space<any>>
          tpu.enqueue_dma source(%dma_start3A_205 : memref<512x256xf32, #tpu.memory_space<any>>) target(%dma_start3A_201 : memref<512x256xf32, #tpu.memory_space<vmem>>) target_semaphore(%dma_start3A_197 : memref<!tpu.dma_semaphore, #tpu.memory_space<semaphore_mem>>)
          %dma_start3A_206 = arith.constant 0 : i32
          %dma_start3A_207 = arith.constant 0 : i32
          %dma_start3A_208 = arith.constant 3 : i32
          %dma_start3A_209 = tpu.memref_slice %arg10[%dma_start3A_207, %dma_start3A_208] : memref<2x4x!tpu.dma_semaphore, #tpu.memory_space<semaphore_mem>> -> memref<1x1x!tpu.dma_semaphore, #tpu.memory_space<semaphore_mem>>
          %dma_start3A_210 = tpu.memref_squeeze %dma_start3A_209 : memref<1x1x!tpu.dma_semaphore, #tpu.memory_space<semaphore_mem>> -> memref<!tpu.dma_semaphore, #tpu.memory_space<semaphore_mem>>
          %dma_start3A_211 = arith.constant 1536 : i32
          %dma_start3A_212 = arith.constant 0 : i32
          %dma_start3A_213 = tpu.memref_slice %arg9[%dma_start3A_206, %dma_start3A_211, %dma_start3A_212] : memref<2x2048x256xf32, #tpu.memory_space<vmem>> -> memref<1x512x256xf32, #tpu.memory_space<vmem>>
          %dma_start3A_214 = tpu.memref_squeeze %dma_start3A_213 : memref<1x512x256xf32, #tpu.memory_space<vmem>> -> memref<512x256xf32, #tpu.memory_space<vmem>>
          %dma_start3A_215 = arith.constant 1536 : i32
          %dma_start3A_216 = arith.constant 0 : i32
          %dma_start3A_217 = tpu.memref_slice %arg2[%add3A_167, %dma_start3A_215, %dma_start3A_216] : memref<8x2048x256xf32, #tpu.memory_space<any>> -> memref<1x512x256xf32, #tpu.memory_space<any>>
          %dma_start3A_218 = tpu.memref_squeeze %dma_start3A_217 : memref<1x512x256xf32, #tpu.memory_space<any>> -> memref<512x256xf32, #tpu.memory_space<any>>
          tpu.enqueue_dma source(%dma_start3A_218 : memref<512x256xf32, #tpu.memory_space<any>>) target(%dma_start3A_214 : memref<512x256xf32, #tpu.memory_space<vmem>>) target_semaphore(%dma_start3A_210 : memref<!tpu.dma_semaphore, #tpu.memory_space<semaphore_mem>>)
        } else {
        }
        %get3A = arith.constant 1 : index
        %get3A_110 = arith.constant 0 : index
        %get3A_111 = arith.constant 0 : index
        %get3A_112 = vector.load %arg9[%get3A, %get3A_110, %get3A_111] : memref<2x2048x256xf32, #tpu.memory_space<vmem>>, vector<1x2048x256xf32>
        %get3A_113 = vector.shape_cast %get3A_112 : vector<1x2048x256xf32> to vector<2048x256xf32>
        %convert_element_type3A_114 = arith.truncf %get3A_113 : vector<2048x256xf32> to vector<2048x256xbf16>
        %convert_element_type3A_115 = arith.extf %convert_element_type3A_114 : vector<2048x256xbf16> to vector<2048x256xf32>
        %reduce_sum3A = arith.constant dense<0.000000e+00> : vector<256xf32>
        %reduce_sum3A_116 = vector.multi_reduction <add>, %convert_element_type3A_115, %reduce_sum3A [0] : vector<2048x256xf32> to vector<256xf32>
        %reshape3A = vector.shape_cast %reduce_sum3A_116 : vector<256xf32> to vector<1x256xf32>
        %mul3A = vector.broadcast %reshape3A : vector<1x256xf32> to vector<2048x256xf32>
        %mul3A_117 = arith.mulf %convert_element_type3A_115, %mul3A : vector<2048x256xf32>
        %reduce_sum3A_118 = arith.constant dense<0.000000e+00> : vector<2048xf32>
        %reduce_sum3A_119 = vector.multi_reduction <add>, %mul3A_117, %reduce_sum3A_118 [1] : vector<2048x256xf32> to vector<2048xf32>
        %bitcast_convert_type3A = tpu.bitcast %reduce_sum3A_119 : vector<2048xf32> -> vector<2048xi32>
        %lt3A_120 = arith.constant 0 : i32
        %lt3A_121 = vector.broadcast %lt3A_120 : i32 to vector<2048xi32>
        %lt3A_122 = arith.cmpi slt, %bitcast_convert_type3A, %lt3A_121 : vector<2048xi32>
        %xor3A = arith.constant 2147483647 : i32
        %xor3A_123 = vector.broadcast %xor3A : i32 to vector<2048xi32>
        %xor3A_124 = arith.xori %bitcast_convert_type3A, %xor3A_123 : vector<2048xi32>
        %select_n3A_125 = arith.select %lt3A_122, %xor3A_124, %bitcast_convert_type3A : vector<2048xi1>, vector<2048xi32>
        %eq3A_126 = arith.constant 0 : i32
        %eq3A_127 = arith.cmpi eq, %arg1, %eq3A_126 : i32
        %convert_element_type3A_128 = arith.extui %eq3A_127 : i1 to i32
        %cond3A_129 = arith.constant 0 : i32
        %cond3A_130 = arith.cmpi ne, %convert_element_type3A_128, %cond3A_129 : i32
        scf.if %cond3A_130 {
          %swap3A = arith.constant 0 : index
          %swap3A_166 = arith.constant 0 : index
          %swap3A_167 = vector.load %arg4[%swap3A, %swap3A_166] : memref<8x2048xi32, #tpu.memory_space<vmem>>, vector<1x2048xi32>
          %swap3A_168 = vector.shape_cast %swap3A_167 : vector<1x2048xi32> to vector<2048xi32>
          %swap3A_169 = vector.shape_cast %select_n3A_125 : vector<2048xi32> to vector<1x2048xi32>
          tpu.vector_store %arg4[%swap3A, %swap3A_166], %swap3A_169 {strides = array<i32>} : memref<8x2048xi32, #tpu.memory_space<vmem>>, vector<1x2048xi32>,
        } else {
        }
        %eq3A_131 = arith.constant 1 : i32
        %eq3A_132 = arith.cmpi eq, %arg1, %eq3A_131 : i32
        %convert_element_type3A_133 = arith.extui %eq3A_132 : i1 to i32
        %cond3A_134 = arith.constant 0 : i32
        %cond3A_135 = arith.cmpi ne, %convert_element_type3A_133, %cond3A_134 : i32
        scf.if %cond3A_135 {
          %swap3A = arith.constant 1 : index
          %swap3A_166 = arith.constant 0 : index
          %swap3A_167 = vector.load %arg4[%swap3A, %swap3A_166] : memref<8x2048xi32, #tpu.memory_space<vmem>>, vector<1x2048xi32>
          %swap3A_168 = vector.shape_cast %swap3A_167 : vector<1x2048xi32> to vector<2048xi32>
          %swap3A_169 = vector.shape_cast %select_n3A_125 : vector<2048xi32> to vector<1x2048xi32>
          tpu.vector_store %arg4[%swap3A, %swap3A_166], %swap3A_169 {strides = array<i32>} : memref<8x2048xi32, #tpu.memory_space<vmem>>, vector<1x2048xi32>,
        } else {
        }
        %eq3A_136 = arith.constant 2 : i32
        %eq3A_137 = arith.cmpi eq, %arg1, %eq3A_136 : i32
        %convert_element_type3A_138 = arith.extui %eq3A_137 : i1 to i32
        %cond3A_139 = arith.constant 0 : i32
        %cond3A_140 = arith.cmpi ne, %convert_element_type3A_138, %cond3A_139 : i32
        scf.if %cond3A_140 {
          %swap3A = arith.constant 2 : index
          %swap3A_166 = arith.constant 0 : index
          %swap3A_167 = vector.load %arg4[%swap3A, %swap3A_166] : memref<8x2048xi32, #tpu.memory_space<vmem>>, vector<1x2048xi32>
          %swap3A_168 = vector.shape_cast %swap3A_167 : vector<1x2048xi32> to vector<2048xi32>
          %swap3A_169 = vector.shape_cast %select_n3A_125 : vector<2048xi32> to vector<1x2048xi32>
          tpu.vector_store %arg4[%swap3A, %swap3A_166], %swap3A_169 {strides = array<i32>} : memref<8x2048xi32, #tpu.memory_space<vmem>>, vector<1x2048xi32>,
        } else {
        }
        %eq3A_141 = arith.constant 3 : i32
        %eq3A_142 = arith.cmpi eq, %arg1, %eq3A_141 : i32
        %convert_element_type3A_143 = arith.extui %eq3A_142 : i1 to i32
        %cond3A_144 = arith.constant 0 : i32
        %cond3A_145 = arith.cmpi ne, %convert_element_type3A_143, %cond3A_144 : i32
        scf.if %cond3A_145 {
          %swap3A = arith.constant 3 : index
          %swap3A_166 = arith.constant 0 : index
          %swap3A_167 = vector.load %arg4[%swap3A, %swap3A_166] : memref<8x2048xi32, #tpu.memory_space<vmem>>, vector<1x2048xi32>
          %swap3A_168 = vector.shape_cast %swap3A_167 : vector<1x2048xi32> to vector<2048xi32>
          %swap3A_169 = vector.shape_cast %select_n3A_125 : vector<2048xi32> to vector<1x2048xi32>
          tpu.vector_store %arg4[%swap3A, %swap3A_166], %swap3A_169 {strides = array<i32>} : memref<8x2048xi32, #tpu.memory_space<vmem>>, vector<1x2048xi32>,
        } else {
        }
        %eq3A_146 = arith.constant 4 : i32
        %eq3A_147 = arith.cmpi eq, %arg1, %eq3A_146 : i32
        %convert_element_type3A_148 = arith.extui %eq3A_147 : i1 to i32
        %cond3A_149 = arith.constant 0 : i32
        %cond3A_150 = arith.cmpi ne, %convert_element_type3A_148, %cond3A_149 : i32
        scf.if %cond3A_150 {
          %swap3A = arith.constant 4 : index
          %swap3A_166 = arith.constant 0 : index
          %swap3A_167 = vector.load %arg4[%swap3A, %swap3A_166] : memref<8x2048xi32, #tpu.memory_space<vmem>>, vector<1x2048xi32>
          %swap3A_168 = vector.shape_cast %swap3A_167 : vector<1x2048xi32> to vector<2048xi32>
          %swap3A_169 = vector.shape_cast %select_n3A_125 : vector<2048xi32> to vector<1x2048xi32>
          tpu.vector_store %arg4[%swap3A, %swap3A_166], %swap3A_169 {strides = array<i32>} : memref<8x2048xi32, #tpu.memory_space<vmem>>, vector<1x2048xi32>,
        } else {
        }
        %eq3A_151 = arith.constant 5 : i32
        %eq3A_152 = arith.cmpi eq, %arg1, %eq3A_151 : i32
        %convert_element_type3A_153 = arith.extui %eq3A_152 : i1 to i32
        %cond3A_154 = arith.constant 0 : i32
        %cond3A_155 = arith.cmpi ne, %convert_element_type3A_153, %cond3A_154 : i32
        scf.if %cond3A_155 {
          %swap3A = arith.constant 5 : index
          %swap3A_166 = arith.constant 0 : index
          %swap3A_167 = vector.load %arg4[%swap3A, %swap3A_166] : memref<8x2048xi32, #tpu.memory_space<vmem>>, vector<1x2048xi32>
          %swap3A_168 = vector.shape_cast %swap3A_167 : vector<1x2048xi32> to vector<2048xi32>
          %swap3A_169 = vector.shape_cast %select_n3A_125 : vector<2048xi32> to vector<1x2048xi32>
          tpu.vector_store %arg4[%swap3A, %swap3A_166], %swap3A_169 {strides = array<i32>} : memref<8x2048xi32, #tpu.memory_space<vmem>>, vector<1x2048xi32>,
        } else {
        }
        %eq3A_156 = arith.constant 6 : i32
        %eq3A_157 = arith.cmpi eq, %arg1, %eq3A_156 : i32
        %convert_element_type3A_158 = arith.extui %eq3A_157 : i1 to i32
        %cond3A_159 = arith.constant 0 : i32
        %cond3A_160 = arith.cmpi ne, %convert_element_type3A_158, %cond3A_159 : i32
        scf.if %cond3A_160 {
          %swap3A = arith.constant 6 : index
          %swap3A_166 = arith.constant 0 : index
          %swap3A_167 = vector.load %arg4[%swap3A, %swap3A_166] : memref<8x2048xi32, #tpu.memory_space<vmem>>, vector<1x2048xi32>
          %swap3A_168 = vector.shape_cast %swap3A_167 : vector<1x2048xi32> to vector<2048xi32>
          %swap3A_169 = vector.shape_cast %select_n3A_125 : vector<2048xi32> to vector<1x2048xi32>
          tpu.vector_store %arg4[%swap3A, %swap3A_166], %swap3A_169 {strides = array<i32>} : memref<8x2048xi32, #tpu.memory_space<vmem>>, vector<1x2048xi32>,
        } else {
        }
        %eq3A_161 = arith.constant 7 : i32
        %eq3A_162 = arith.cmpi eq, %arg1, %eq3A_161 : i32
        %convert_element_type3A_163 = arith.extui %eq3A_162 : i1 to i32
        %cond3A_164 = arith.constant 0 : i32
        %cond3A_165 = arith.cmpi ne, %convert_element_type3A_163, %cond3A_164 : i32
        scf.if %cond3A_165 {
          %swap3A = arith.constant 7 : index
          %swap3A_166 = arith.constant 0 : index
          %swap3A_167 = vector.load %arg4[%swap3A, %swap3A_166] : memref<8x2048xi32, #tpu.memory_space<vmem>>, vector<1x2048xi32>
          %swap3A_168 = vector.shape_cast %swap3A_167 : vector<1x2048xi32> to vector<2048xi32>
          %swap3A_169 = vector.shape_cast %select_n3A_125 : vector<2048xi32> to vector<1x2048xi32>
          tpu.vector_store %arg4[%swap3A, %swap3A_166], %swap3A_169 {strides = array<i32>} : memref<8x2048xi32, #tpu.memory_space<vmem>>, vector<1x2048xi32>,
        } else {
        }
      } else {
      }
      %eq3A_47 = arith.constant 7 : i32
      %eq3A_48 = arith.cmpi eq, %arg1, %eq3A_47 : i32
      %convert_element_type3A_49 = arith.extui %eq3A_48 : i1 to i32
      %cond3A_50 = arith.constant 0 : i32
      %cond3A_51 = arith.cmpi ne, %convert_element_type3A_49, %cond3A_50 : i32
      scf.if %cond3A_51 {
        %get3A = arith.constant 0 : index
        %get3A_52 = arith.constant 0 : index
        %get3A_53 = vector.load %arg4[%get3A, %get3A_52] : memref<8x2048xi32, #tpu.memory_space<vmem>>, vector<8x2048xi32>
        %broadcast_in_dim3A = arith.constant 0 : i32
        %broadcast_in_dim3A_54 = vector.broadcast %broadcast_in_dim3A : i32 to vector<8x1xi32>
        %scan3A = arith.constant 0 : i32
        %scan3A_55 = arith.constant 32 : i32
        %scan3A_56 = arith.addi %scan3A, %scan3A_55 : i32
        %scan3A_57 = arith.constant 1 : i32
        %scan3A_58 = scf.for %scan3A_78 = %scan3A to %scan3A_56 step %scan3A_57 iter_args(%scan3A_79 = %broadcast_in_dim3A_54) -> (vector<8x1xi32>)  : i32 {
          %sub3A_80 = arith.constant 31 : i32
          %sub3A_81 = arith.subi %sub3A_80, %scan3A_78 : i32
          %shift_left3A = arith.constant 1 : i32
          %shift_left3A_82 = arith.shli %shift_left3A, %sub3A_81 : i32
          %sub3A_83 = arith.constant 1 : i32
          %sub3A_84 = arith.subi %shift_left3A_82, %sub3A_83 : i32
          %or3A = vector.broadcast %sub3A_84 : i32 to vector<8x1xi32>
          %or3A_85 = arith.ori %scan3A_79, %or3A : vector<8x1xi32>
          %xor3A_86 = arith.constant -2147483648 : i32
          %xor3A_87 = vector.broadcast %xor3A_86 : i32 to vector<8x1xi32>
          %xor3A_88 = arith.xori %or3A_85, %xor3A_87 : vector<8x1xi32>
          %le3A = vector.broadcast %xor3A_88 : vector<8x1xi32> to vector<8x2048xi32>
          %le3A_89 = arith.cmpi sle, %get3A_53, %le3A : vector<8x2048xi32>
          %convert_element_type3A_90 = arith.extui %le3A_89 : vector<8x2048xi1> to vector<8x2048xi32>
          %reduce_sum3A_91 = arith.constant dense<0> : vector<8xi32>
          %reduce_sum3A_92 = vector.multi_reduction <add>, %convert_element_type3A_90, %reduce_sum3A_91 [1] : vector<8x2048xi32> to vector<8xi32>
          %broadcast_in_dim3A_93 = vector.shape_cast %reduce_sum3A_92 : vector<8xi32> to vector<8x1xi32>
          %ge3A = arith.constant 1024 : i32
          %ge3A_94 = vector.broadcast %ge3A : i32 to vector<8x1xi32>
          %ge3A_95 = arith.cmpi sge, %broadcast_in_dim3A_93, %ge3A_94 : vector<8x1xi32>
          %or3A_96 = vector.broadcast %shift_left3A_82 : i32 to vector<8x1xi32>
          %or3A_97 = arith.ori %scan3A_79, %or3A_96 : vector<8x1xi32>
          %select_n3A_98 = arith.select %ge3A_95, %scan3A_79, %or3A_97 : vector<8x1xi1>, vector<8x1xi32>
          scf.yield %select_n3A_98 : vector<8x1xi32>
        }
        %scan3A_59 = arith.constant 32 : i32
        %xor3A = arith.constant -2147483648 : i32
        %xor3A_60 = vector.broadcast %xor3A : i32 to vector<8x1xi32>
        %xor3A_61 = arith.xori %scan3A_58, %xor3A_60 : vector<8x1xi32>
        %lt3A_62 = vector.broadcast %xor3A_61 : vector<8x1xi32> to vector<8x2048xi32>
        %lt3A_63 = arith.cmpi slt, %get3A_53, %lt3A_62 : vector<8x2048xi32>
        %convert_element_type3A_64 = arith.extui %lt3A_63 : vector<8x2048xi1> to vector<8x2048xi32>
        %reduce_sum3A = arith.constant dense<0> : vector<8xi32>
        %reduce_sum3A_65 = vector.multi_reduction <add>, %convert_element_type3A_64, %reduce_sum3A [1] : vector<8x2048xi32> to vector<8xi32>
        %broadcast_in_dim3A_66 = vector.shape_cast %reduce_sum3A_65 : vector<8xi32> to vector<8x1xi32>
        %sub3A = arith.constant 1024 : i32
        %sub3A_67 = vector.broadcast %sub3A : i32 to vector<8x1xi32>
        %sub3A_68 = arith.subi %sub3A_67, %broadcast_in_dim3A_66 : vector<8x1xi32>
        %broadcast_in_dim3A_69 = vector.shape_cast %xor3A_61 : vector<8x1xi32> to vector<8x1xi32>
        %broadcast_in_dim3A_70 = vector.broadcast %broadcast_in_dim3A_69 : vector<8x1xi32> to vector<8x128xi32>
        %swap3A = arith.constant 0 : index
        %swap3A_71 = arith.constant 0 : index
        %swap3A_72 = vector.load %arg5[%swap3A, %swap3A_71] : memref<8x128xi32, #tpu.memory_space<vmem>>, vector<8x128xi32>
        tpu.vector_store %arg5[%swap3A, %swap3A_71], %broadcast_in_dim3A_70 {strides = array<i32>} : memref<8x128xi32, #tpu.memory_space<vmem>>, vector<8x128xi32>,
        %broadcast_in_dim3A_73 = vector.shape_cast %sub3A_68 : vector<8x1xi32> to vector<8x1xi32>
        %broadcast_in_dim3A_74 = vector.broadcast %broadcast_in_dim3A_73 : vector<8x1xi32> to vector<8x128xi32>
        %swap3A_75 = arith.constant 0 : index
        %swap3A_76 = arith.constant 0 : index
        %swap3A_77 = vector.load %arg6[%swap3A_75, %swap3A_76] : memref<8x128xi32, #tpu.memory_space<vmem>>, vector<8x128xi32>
        tpu.vector_store %arg6[%swap3A_75, %swap3A_76], %broadcast_in_dim3A_74 {strides = array<i32>} : memref<8x128xi32, #tpu.memory_space<vmem>>, vector<8x128xi32>,
      } else {
      }
    } else {
    }
    %eq3A_2 = arith.constant 1 : i32
    %eq3A_3 = arith.cmpi eq, %arg0, %eq3A_2 : i32
    %convert_element_type3A_4 = arith.extui %eq3A_3 : i1 to i32
    %cond3A_5 = arith.constant 0 : i32
    %cond3A_6 = arith.cmpi ne, %convert_element_type3A_4, %cond3A_5 : i32
    scf.if %cond3A_6 {
      %get3A = arith.constant 0 : index
      %get3A_7 = arith.constant 0 : index
      %get3A_8 = vector.load %arg4[%get3A, %get3A_7] : memref<8x2048xi32, #tpu.memory_space<vmem>>, vector<8x2048xi32>
      %iota3A = tpu.iota {dimensions = array<i32: 0>} : vector<8x2048xi32>
      %eq3A_9 = vector.broadcast %arg1 : i32 to vector<8x2048xi32>
      %eq3A_10 = arith.cmpi eq, %iota3A, %eq3A_9 : vector<8x2048xi32>
      %jit3A = arith.constant 0 : i32
      %broadcast_in_dim3A = vector.broadcast %jit3A : i32 to vector<8x2048xi32>
      %select_n3A = arith.select %eq3A_10, %get3A_8, %broadcast_in_dim3A : vector<8x2048xi1>, vector<8x2048xi32>
      %reduce_sum3A = arith.constant dense<0> : vector<2048xi32>
      %reduce_sum3A_11 = vector.multi_reduction <add>, %select_n3A, %reduce_sum3A [0] : vector<8x2048xi32> to vector<2048xi32>
      %iota3A_12 = tpu.iota {dimensions = array<i32: 0>} : vector<8x128xi32>
      %eq3A_13 = vector.broadcast %arg1 : i32 to vector<8x128xi32>
      %eq3A_14 = arith.cmpi eq, %iota3A_12, %eq3A_13 : vector<8x128xi32>
      %get3A_15 = arith.constant 0 : index
      %get3A_16 = arith.constant 0 : index
      %get3A_17 = vector.load %arg5[%get3A_15, %get3A_16] : memref<8x128xi32, #tpu.memory_space<vmem>>, vector<8x128xi32>
      %jit3A_18 = arith.constant 0 : i32
      %broadcast_in_dim3A_19 = vector.broadcast %jit3A_18 : i32 to vector<8x128xi32>
      %select_n3A_20 = arith.select %eq3A_14, %get3A_17, %broadcast_in_dim3A_19 : vector<8x128xi1>, vector<8x128xi32>
      %reduce_sum3A_21 = arith.constant dense<0> : vector<128xi32>
      %reduce_sum3A_22 = vector.multi_reduction <add>, %select_n3A_20, %reduce_sum3A_21 [0] : vector<8x128xi32> to vector<128xi32>
      %get3A_23 = arith.constant 0 : index
      %get3A_24 = arith.constant 0 : index
      %get3A_25 = vector.load %arg6[%get3A_23, %get3A_24] : memref<8x128xi32, #tpu.memory_space<vmem>>, vector<8x128xi32>
      %jit3A_26 = arith.constant 0 : i32
      %broadcast_in_dim3A_27 = vector.broadcast %jit3A_26 : i32 to vector<8x128xi32>
      %select_n3A_28 = arith.select %eq3A_14, %get3A_25, %broadcast_in_dim3A_27 : vector<8x128xi1>, vector<8x128xi32>
      %reduce_sum3A_29 = arith.constant dense<0> : vector<128xi32>
      %reduce_sum3A_30 = vector.multi_reduction <add>, %select_n3A_28, %reduce_sum3A_29 [0] : vector<8x128xi32> to vector<128xi32>
      %reshape3A = vector.shape_cast %reduce_sum3A_11 : vector<2048xi32> to vector<16x128xi32>
      %reshape3A_31 = vector.shape_cast %reduce_sum3A_22 : vector<128xi32> to vector<1x128xi32>
      %lt3A = vector.broadcast %reshape3A_31 : vector<1x128xi32> to vector<16x128xi32>
      %lt3A_32 = arith.cmpi slt, %reshape3A, %lt3A : vector<16x128xi32>
      %reshape3A_33 = vector.shape_cast %reduce_sum3A_22 : vector<128xi32> to vector<1x128xi32>
      %eq3A_34 = vector.broadcast %reshape3A_33 : vector<1x128xi32> to vector<16x128xi32>
      %eq3A_35 = arith.cmpi eq, %reshape3A, %eq3A_34 : vector<16x128xi32>
      %get3A_36 = arith.constant 0 : index
      %get3A_37 = arith.constant 0 : index
      %get3A_38 = vector.load %arg7[%get3A_36, %get3A_37] : memref<128x128xf32, #tpu.memory_space<vmem>>, vector<128x128xf32>
      %get3A_39 = arith.constant 0 : index
      %get3A_40 = arith.constant 0 : index
      %get3A_41 = vector.load %arg8[%get3A_39, %get3A_40] : memref<16x16xf32, #tpu.memory_space<vmem>>, vector<16x16xf32>
      %convert_element_type3A_42 = arith.extui %eq3A_35 : vector<16x128xi1> to vector<16x128xi32>
      %convert_element_type3A_43 = arith.sitofp %convert_element_type3A_42 : vector<16x128xi32> to vector<16x128xf32>
      %dot_general3A = arith.constant dense<0.000000e+00> : vector<16x128xf32>
      %dot_general3A_44 = tpu.matmul %convert_element_type3A_43, %get3A_38, %dot_general3A {dimension_numbers = #tpu.dot_dimension_numbers<[1], [0], [0], [1], [0, 0, 1, 1], [], []>, transpose_lhs_hint = false} : vector<16x128xf32>, vector<128x128xf32>, vector<16x128xf32> -> vector<16x128xf32>
      %slice3A = vector.extract_strided_slice %dot_general3A_44 {offsets = [0, 127], sizes = [16, 1], strides = [1, 1]} : vector<16x128xf32> to vector<16x1xf32>
      %dot_general3A_45 = arith.constant dense<0.000000e+00> : vector<16x1xf32>
      %dot_general3A_46 = tpu.matmul %get3A_41, %slice3A, %dot_general3A_45 {dimension_numbers = #tpu.dot_dimension_numbers<[0], [0], [1], [1], [0, 1, 1, 1], [], []>, transpose_lhs_hint = false} : vector<16x16xf32>, vector<16x1xf32>, vector<16x1xf32> -> vector<16x1xf32>
      %add3A = vector.broadcast %dot_general3A_46 : vector<16x1xf32> to vector<16x128xf32>
      %add3A_47 = arith.addf %dot_general3A_44, %add3A : vector<16x128xf32>
      %reshape3A_48 = vector.shape_cast %reduce_sum3A_30 : vector<128xi32> to vector<1x128xi32>
      %convert_element_type3A_49 = arith.sitofp %reshape3A_48 : vector<1x128xi32> to vector<1x128xf32>
      %le3A = vector.broadcast %convert_element_type3A_49 : vector<1x128xf32> to vector<16x128xf32>
      %le3A_50 = arith.cmpf ole, %add3A_47, %le3A : vector<16x128xf32>
      %and3A = arith.andi %eq3A_35, %le3A_50 : vector<16x128xi1>
      %or3A = arith.ori %lt3A_32, %and3A : vector<16x128xi1>
      %convert_element_type3A_51 = arith.extui %or3A : vector<16x128xi1> to vector<16x128xi32>
      %convert_element_type3A_52 = arith.sitofp %convert_element_type3A_51 : vector<16x128xi32> to vector<16x128xf32>
      %dot_general3A_53 = arith.constant dense<0.000000e+00> : vector<16x128xf32>
      %dot_general3A_54 = tpu.matmul %convert_element_type3A_52, %get3A_38, %dot_general3A_53 {dimension_numbers = #tpu.dot_dimension_numbers<[1], [0], [0], [1], [0, 0, 1, 1], [], []>, transpose_lhs_hint = false} : vector<16x128xf32>, vector<128x128xf32>, vector<16x128xf32> -> vector<16x128xf32>
      %slice3A_55 = vector.extract_strided_slice %dot_general3A_54 {offsets = [0, 127], sizes = [16, 1], strides = [1, 1]} : vector<16x128xf32> to vector<16x1xf32>
      %dot_general3A_56 = arith.constant dense<0.000000e+00> : vector<16x1xf32>
      %dot_general3A_57 = tpu.matmul %get3A_41, %slice3A_55, %dot_general3A_56 {dimension_numbers = #tpu.dot_dimension_numbers<[0], [0], [1], [1], [0, 1, 1, 1], [], []>, transpose_lhs_hint = false} : vector<16x16xf32>, vector<16x1xf32>, vector<16x1xf32> -> vector<16x1xf32>
      %add3A_58 = vector.broadcast %dot_general3A_57 : vector<16x1xf32> to vector<16x128xf32>
      %add3A_59 = arith.addf %dot_general3A_54, %add3A_58 : vector<16x128xf32>
      %reshape3A_60 = vector.shape_cast %add3A_59 : vector<16x128xf32> to vector<1x2048xf32>
      %convert_element_type3A_61 = arith.fptosi %reshape3A_60 : vector<1x2048xf32> to vector<1x2048xi16>
      %iota3A_62 = tpu.iota {dimensions = array<i32: 0>} : vector<1024x1xi32>
      %convert_element_type3A_63 = arith.trunci %iota3A_62 : vector<1024x1xi32> to vector<1024x1xi16>
      %le3A_64 = vector.broadcast %convert_element_type3A_61 : vector<1x2048xi16> to vector<1024x2048xi16>
      %le3A_65 = vector.broadcast %convert_element_type3A_63 : vector<1024x1xi16> to vector<1024x2048xi16>
      %le3A_66 = arith.cmpi sle, %le3A_64, %le3A_65 : vector<1024x2048xi16>
      %jit3A_67 = arith.constant 1.000000e+00 : bf16
      %jit3A_68 = arith.constant 0.000000e+00 : bf16
      %broadcast_in_dim3A_69 = vector.broadcast %jit3A_67 : bf16 to vector<1024x2048xbf16>
      %broadcast_in_dim3A_70 = vector.broadcast %jit3A_68 : bf16 to vector<1024x2048xbf16>
      %select_n3A_71 = arith.select %le3A_66, %broadcast_in_dim3A_69, %broadcast_in_dim3A_70 : vector<1024x2048xi1>, vector<1024x2048xbf16>
      %broadcast_in_dim3A_72 = arith.constant 1.000000e+00 : bf16
      %broadcast_in_dim3A_73 = vector.broadcast %broadcast_in_dim3A_72 : bf16 to vector<2048x1xbf16>
      %dot_general3A_74 = arith.constant dense<0.000000e+00> : vector<1024x1xf32>
      %dot_general3A_75 = tpu.matmul %select_n3A_71, %broadcast_in_dim3A_73, %dot_general3A_74 {dimension_numbers = #tpu.dot_dimension_numbers<[1], [0], [0], [1], [0, 0, 1, 1], [], []>, transpose_lhs_hint = false} : vector<1024x2048xbf16>, vector<2048x1xbf16>, vector<1024x1xf32> -> vector<1024x1xf32>
      %squeeze3A = vector.shape_cast %dot_general3A_75 : vector<1024x1xf32> to vector<1024xf32>
      %convert_element_type3A_76 = arith.fptosi %squeeze3A : vector<1024xf32> to vector<1024xi32>
      %mul3A = arith.constant 2048 : i32
      %mul3A_77 = arith.muli %arg1, %mul3A : i32
      %add3A_78 = vector.broadcast %mul3A_77 : i32 to vector<1024xi32>
      %add3A_79 = arith.addi %convert_element_type3A_76, %add3A_78 : vector<1024xi32>
      %swap3A = arith.constant 0 : index
      %swap3A_80 = arith.constant 0 : index
      %swap3A_81 = arith.constant 0 : index
      %swap3A_82 = vector.load %arg3[%swap3A, %swap3A_80, %swap3A_81] : memref<1x1x1024xi32, #tpu.memory_space<vmem>>, vector<1x1x1024xi32>
      %swap3A_83 = vector.shape_cast %swap3A_82 : vector<1x1x1024xi32> to vector<1024xi32>
      %swap3A_84 = vector.shape_cast %add3A_79 : vector<1024xi32> to vector<1x1x1024xi32>
      tpu.vector_store %arg3[%swap3A, %swap3A_80, %swap3A_81], %swap3A_84 {strides = array<i32>} : memref<1x1x1024xi32, #tpu.memory_space<vmem>>, vector<1x1x1024xi32>,
    } else {
    }
    return
  }
  func.func @transform_1(%arg0: i32, %arg1: i32) -> (i32, i32, i32) {
    %eq3A = arith.constant 0 : i32
    %eq3A_0 = arith.cmpi eq, %arg0, %eq3A : i32
    %jit3A = arith.constant 0 : i32
    %select_n3A = arith.select %eq3A_0, %jit3A, %arg1 : i32
    %c0_i32 = arith.constant 0 : i32
    %c0_i32_1 = arith.constant 0 : i32
    %c0_i32_2 = arith.constant 0 : i32
    return %select_n3A, %c0_i32, %c0_i32_1 : i32, i32, i32
  }
}

</mosaic_0001>

<sc_bundles>
// kernel: kernel.4.cloned.1.call-start
scs
__scs_entry_jumppad:
0x0: {  	(pc) =	sbr.rel $0x88, $3  }
0x1: {  	(tag) =	ssettag $0x0;
	lr =	simm.s32 $0x1  }
0x2: {  	[smem:$0x3F9F] =	sst lr;
	_ =	strace $0xD0000000  }
0x3: {  	_ = 	snop  }
0x4: {  	_ = 	snop  }
0x5: {  	_ = 	snop  }
0x6: {  	_ = 	snop  }
0x7: {  	_ = 	snop  }
__scs_overlays_trampoline_lowered:
0x8: {  	[smem:$0x3FAE] =	sst s0  }
0x9: {  	[smem:$0x3FAF] =	sst s1  }
0xa: {  	[smem:$0x3FB0] =	sst s2  }
0xb: {  	[smem:$0x3FB1] =	sst s3  }
0xc: {  	[smem:$0x3FB2] =	sst s4  }
0xd: {  	[smem:$0x3FB3] =	sst s5  }
0xe: {  	[smem:$0x3FB4] =	sst s6  }
0xf: {  	[smem:$0x3FB5] =	sst s7  }
0x10: {  	[smem:$0x3FB6] =	sst s8  }
0x11: {  	[smem:$0x3FB7] =	sst s9;
	s0 =	simm.s32 @!p0 $0x0  }
0x12: {  	s1 =	sld [smem:$0x3F9D];
	s0 =	simm.s32 @p0 $0x1  }
0x13: {  	[smem:$0x3FB8] =	sst s0;
	s0 =	simm.s32 @!p1 $0x0  }
0x14: {  	s2 =	sld [smem:$0x3F9C];
	s0 =	simm.s32 @p1 $0x1  }
0x15: {  	[smem:$0x3FB9] =	sst s0;
	s0 =	simm.s32 @!p2 $0x0  }
0x16: {  	s3 =	sld [smem:$0x3FDB];
	s0 =	simm.s32 @p2 $0x1  }
0x17: {  	s4 =	simm.s32 $0x1BF5;
	[smem:$0x3FBB] =	sst s0  }
0x18: {  	s0 =	sld [smem:$0x3F9E];
	_ =	swait.ge [sflag:s4], $0x0  }
0x19: {  	s7 =	sld [smem:$0x3F9F]  }
0x1a: {  	s8 =	sadd.s32 $0xFFFFE003, lr  }
0x1b: {  	s9 =	sadd.s32 $0xFFFFFEF7, lr;
	s5 =	simm.s32 $0xFFFFFFFF;
	p2 =	slt.u32 s8, $0xFFFFF086  }
0x1c: {  	p1 =	slt.u32 s9, $0xF7A;
	s5 =	simm.s32 @!p2 $0x0  }
0x1d: {  	s5 =	simm.s32 @p1 $0x1;
	p0 =	seq.s32 s7, s2  }
0x1e: {  	s7 =	smul.u32 @!p0 $0xF7A, s2;
	p2 =	seq.s32 @!p0 s5, $0x0  }
0x1f: {  	s9 =	smul.u32 $0xF7A, s1;
	s8 =	simm.s32 @!p0 $0x1BF5;
	p2 =	por !p2, p0  }
0x20: {  	[sflag:s8] =	ssyncset.s32 @!p0 $0xFFFFF086;
	s6 =	sadd.s32 @!p0 s3, s7;
	s7 =	simm.s32 @!p0 $0x108  }
0x21: {  	s3 =	sadd.s32 s3, s9;
	s6 =	sadd.s32 @!p0 $0x88, s6;
	s7 =	simm.s32 @p2 $0x1082  }
0x22: {  	[simem:s7], [sflag:s8] =	dma.local @!p0 [hbm:s6], $0xF7A  }
0x23: {  	s9 =	sor.u32 $0xD0000000, s2;
	s6 =	simm.s32 $0x108;
	_ =	swait.ge @!p0 [sflag:s8], $0x0  }
0x24: {  	s3 =	sadd.s32 $0x88, s3;
	s6 =	simm.s32 @!p1 $0x1082;
	[sflag:s4] =	ssyncset.s32 $0xFFFFF086  }
0x25: {  	[simem:s6], [sflag:s4] =	dma.local [hbm:s3], $0xF7A  }
0x26: {  	[smem:$0x3F9F] =	sst s1;
	(tag) =	ssettag s2;
	_ =	strace s9  }
0x27: {  	s1 =	sld [smem:$0x3FAF]  }
0x28: {  	s2 =	sld [smem:$0x3FB0]  }
0x29: {  	s4 =	sld [smem:$0x3FB2]  }
0x2a: {  	p0 =	seq.s32 s5, $0x0;
	s5 =	sld [smem:$0x3FB3]  }
0x2b: {  	s6 =	sld [smem:$0x3FB4]  }
0x2c: {  	s7 =	sld [smem:$0x3FB5]  }
0x2d: {  	s3 =	simm.s32 $0x108;
	s8 =	sld [smem:$0x3FB6]  }
0x2e: {  	s3 =	simm.s32 @!p0 $0x1082;
	s9 =	sld [smem:$0x3FB7]  }
0x2f: {  	lr =	sadd.s32 s0, s3;
	s0 =	sld [smem:$0x3FAE]  }
0x30: {  	s3 =	sld [smem:$0x3FB1]  }
0x31: {  	[smem:$0x3FBA] =	sst s10  }
0x32: {  	s10 =	sld [smem:$0x3FB8];
	_ =	sdelay $0x3  }
0x33: {  	p0 =	seq.s32 s10, $0x1;
	s10 =	sld [smem:$0x3FBA];
	_ =	sdelay $0x3  }
0x34: {  	[smem:$0x3FBA] =	sst s10  }
0x35: {  	s10 =	sld [smem:$0x3FB9];
	_ =	sdelay $0x3  }
0x36: {  	p1 =	seq.s32 s10, $0x1;
	s10 =	sld [smem:$0x3FBA];
	_ =	sdelay $0x3  }
0x37: {  	[smem:$0x3FBA] =	sst s10  }
0x38: {  	s10 =	sld [smem:$0x3FBB]  }
0x39: {  	_ = 	snop;
	(pc) =	sbr.ind lr, $3  }
0x3a: {  	_ = 	snop  }
0x3b: {  	_ = 	snop  }
0x3c: {  	p2 =	seq.s32 s10, $0x1;
	s10 =	sld [smem:$0x3FBA]  }
0x3d: {  	_ =	shalt  }
0x3e: {  	_ =	shalt  }
0x3f: {  	_ =	shalt  }
0x40: {  	_ =	shalt  }
0x41: {  	_ =	shalt  }
0x42: {  	_ =	shalt  }
0x43: {  	_ =	shalt  }
0x44: {  	_ =	shalt  }
0x45: {  	_ =	shalt  }
0x46: {  	_ =	shalt  }
0x47: {  	_ =	shalt  }
0x48: {  	_ =	shalt  }
0x49: {  	_ =	shalt  }
0x4a: {  	_ =	shalt  }
0x4b: {  	_ =	shalt  }
0x4c: {  	_ =	shalt  }
0x4d: {  	_ =	shalt  }
0x4e: {  	_ =	shalt  }
0x4f: {  	_ =	shalt  }
0x50: {  	_ =	shalt  }
0x51: {  	_ =	shalt  }
0x52: {  	_ =	shalt  }
0x53: {  	_ =	shalt  }
0x54: {  	_ =	shalt  }
0x55: {  	_ =	shalt  }
0x56: {  	_ =	shalt  }
0x57: {  	_ =	shalt  }
0x58: {  	_ =	shalt  }
0x59: {  	_ =	shalt  }
0x5a: {  	_ =	shalt  }
0x5b: {  	_ =	shalt  }
0x5c: {  	_ =	shalt  }
0x5d: {  	_ =	shalt  }
0x5e: {  	_ =	shalt  }
0x5f: {  	_ =	shalt  }
0x60: {  	_ =	shalt  }
0x61: {  	_ =	shalt  }
0x62: {  	_ =	shalt  }
0x63: {  	_ =	shalt  }
0x64: {  	_ =	shalt  }
0x65: {  	_ =	shalt  }
0x66: {  	_ =	shalt  }
0x67: {  	_ =	shalt  }
0x68: {  	_ =	shalt  }
0x69: {  	_ =	shalt  }
0x6a: {  	_ =	shalt  }
0x6b: {  	_ =	shalt  }
0x6c: {  	_ =	shalt  }
0x6d: {  	_ =	shalt  }
0x6e: {  	_ =	shalt  }
0x6f: {  	_ =	shalt  }
0x70: {  	_ =	shalt  }
0x71: {  	_ =	shalt  }
0x72: {  	_ =	shalt  }
0x73: {  	_ =	shalt  }
0x74: {  	_ =	shalt  }
0x75: {  	_ =	shalt  }
0x76: {  	_ =	shalt  }
0x77: {  	_ =	shalt  }
0x78: {  	_ =	shalt  }
0x79: {  	_ =	shalt  }
0x7a: {  	_ =	shalt  }
0x7b: {  	_ =	shalt  }
0x7c: {  	_ =	shalt  }
0x7d: {  	_ =	shalt  }
0x7e: {  	_ =	shalt  }
0x7f: {  	_ =	shalt  }
0x80: {  	_ =	shalt  }
0x81: {  	_ =	shalt  }
0x82: {  	_ =	shalt  }
0x83: {  	_ =	shalt  }
0x84: {  	_ =	shalt  }
0x85: {  	_ =	shalt  }
0x86: {  	_ =	shalt  }
0x87: {  	_ =	shalt  }
.Lfunc_end0:
.L_simem_size_0:
called_computation_lowered:
.L_overlay_start_0:
0x88: {  	s2 =	sld [smem:$0x3FD9]  }
0x89: {  	s3 =	sld [smem:$0x3FFE];
	_ =	sdelay $0x1  }
0x8a: {  	s1 =	srdreg.scid  }
0x8b: {  	s0 =	sand.u32 $0x1, s1  }
0x8c: {  	s14 =	sshll.u32 s0, $0xA;
	s2 =	sadd.s32 s3, s2  }
0x8d: {  	s2 =	sadd.s32 s2, s14  }
0x8e: {  	[smem:$0x3FC6] =	sst s2  }
0x8f: {  	_ = 	snop  }
0x90: {  	s2 =	sld [smem:$0x3FD0];
	_ =	sdelay $0x1  }
0x91: {  	s15 =	sld [smem:$0x3FC9]  }
0x92: {  	s5 =	simm.s32 $0xA;
	s6 =	simm.s32 $0x10;
	s4 =	sld [smem:$0x3FC8]  }
0x93: {  	[smem:s6], [sflag:s5] =	dma.local [hbm:s2], $0x1  }
0x94: {  	_ =	swait.eq [sflag:s5], $0x1  }
0x95: {  	[sflag:s5] =	ssyncset.done $0x0  }
0x96: {  	s16 =	sld [smem:$0x10];
	[sflag:s5] =	ssyncadd.s32 $0xFFFFFFFF  }
0x97: {  	s17 =	sld [smem:$0x11];
	(tm) =	ssettm $0x1  }
0x98: {  	s18 =	sld [smem:$0x3FFB];
	_ =	sdelay $0x3  }
0x99: {  	_ =	strace s18  }
0x9a: {  	s6 =	sld [smem:$0x3FFC];
	_ =	sdelay $0x3  }
0x9b: {  	_ =	strace s6  }
0x9c: {  	s6 =	sld [smem:$0x3FFD];
	_ =	sdelay $0x3  }
0x9d: {  	_ =	strace s6  }
0x9e: {  	_ =	strace $0x8FFFFFFF  }
0x9f: {  	s19 =	sld [smem:$0x3FDB];
	_ =	sdelay $0x1  }
0xa0: {  	s7 =	simm.s32 $_scs_section_size  }
0xa1: {  	s8 =	simm.s32 $_size__tile_overlayer_lowered;
	s9 =	simm.s32 $_tile_overlayer_lowered  }
0xa2: {  	s22 =	simm.s32 $0x1BFF;
	s21 =	sshll.u32 s9, $0x1;
	s6 =	sadd.s32 s7, s19  }
0xa3: {  	s10 =	simm.s32 $0x0;
	s20 =	sshll.u32 s8, $0x1;
	s8 =	sadd.s32 s21, s6  }
0xa4: {  	[timem:s10], [sflag:s22] =	dma.local [hbm:s8], s20  }
0xa5: {  	_ =	swait.ge [sflag:s22], s20  }
0xa6: {  	s7 =	ssub.s32 $0x0, s20;
	[sflag:s22] =	ssyncset.done $0x0  }
0xa7: {  	[sflag:s22] =	ssyncadd.s32 s7;
	_ =	sdelay $0x1  }
0xa8: {  	s23 =	simm.s32 $0x1B8B  }
0xa9: {  	_ =	swait.ge [sflag:s23], $0x1  }
0xaa: {  	[sflag:s23] =	ssyncset.done $0x0  }
0xab: {  	s25 =	simm.s32 $0x1B8E;
	s24 =	sld [smem:$0x3FFE];
	[sflag:s23] =	ssyncadd.s32 $0xFFFFFFFF  }
0xac: {  	s26 =	simm.s32 $execute0_lowered;
	[smem:$0x3FD2] =	sst s25  }
0xad: {  	s8 =	sshll.u32 s26, $0x1;
	_ =	strace $0x80000046;
	[dreg:$0x1] =	wrdreg $0xFFFFFFFF  }
0xae: {  	s28 =	simm.s32 $_size_execute0_lowered;
	s6 =	sadd.s32 s6, s8;
	[dreg:$0x0] =	wrdreg $0x0  }
0xaf: {  	s8 =	sshll.u32 s28, $0x1;
	[dreg:$0x2] =	wrdreg s6  }
0xb0: {  	[dreg:$0x3] =	wrdreg s8  }
0xb1: {  	[dreg:$0x4] =	wrdreg $0xC0  }
0xb2: {  	_ =	task [dreg:s10], $0x5FFFF  }
0xb3: {  	[dreg:$0x1] =	wrdreg $0xFFFFFFFF  }
0xb4: {  	[dreg:$0x0] =	wrdreg $0x60  }
0xb5: {  	[dreg:$0x2] =	wrdreg s24  }
0xb6: {  	[dreg:$0x3] =	wrdreg s15  }
0xb7: {  	[dreg:$0x4] =	wrdreg s4  }
0xb8: {  	[dreg:$0x5] =	wrdreg s16  }
0xb9: {  	[dreg:$0x6] =	wrdreg s17  }
0xba: {  	[dreg:$0x7] =	wrdreg $0x9  }
0xbb: {  	_ =	task.clear_ibuf [dreg:s10], $0x8FFFF;
	_ =	strace $0x90000046  }
0xbc: {  	s29 =	simm.s32 $0x9;
	_ =	strace $0x80000048  }
0xbd: {  	_ =	swait.ge [sflag:s29], $0x1  }
0xbe: {  	[sflag:s29] =	ssyncadd.s32 $0xFFFFFFFF  }
0xbf: {  	_ =	strace $0x90000048  }
0xc0: {  	_ =	sfence  }
0xc1: {  	s30 =	sld [smem:$0x0];
	_ =	sdelay $0x2  }
0xc2: {  	s31 =	sshll.u32 s1, $0xD;
	s1 =	sshrl.u32 s1, $0x2  }
0xc3: {  	s3 =	sand.u32 $0x4000, s31;
	s1 =	sadd.s32 s1, s30  }
0xc4: {  	s0 =	sor.u32 s3, s0;
	s1 =	sshll.u32 s1, $0x11  }
0xc5: {  	s0 =	sor.u32 s1, s0  }
0xc6: {  	s0 =	sadd.s32 $0x8F2B, s0  }
0xc7: {  	[sflag:s0] =	ssyncadd.remote.s32 $0x1  }
0xc8: {  	_ =	sfence.sel $0xFFFF  }
0xc9: {  	[dreg:$0x0] =	wrdreg $0xFFFFFFFF;
	(pc) =	sbr.abs _section_cstart, $3  }
0xca: {  	[dreg:$0x1] =	wrdreg $0xFFFFFFFF  }
0xcb: {  	_ =	task.clear_ibuf [dreg:s10], $0x2FFFF;
	_ =	strace $0x9FFFFFFF  }
0xcc: {  	(tm) =	ssettm $0x7FFFFFFF  }
0xcd: {  	_ =	shalt  }
tec
execute0_lowered:
.L_overlay_start_1:
0x0: {  	(tag) =	ssettag $0x1  }
0x1: {  	s0 =	rddreg [dreg:$0x0]  }
0x2: {  	s1 =	rddreg [dreg:$0x1]  }
0x3: {  	s2 =	rddreg [dreg:$0x2]  }
0x4: {  	s3 =	srdreg.scid;
	s5 =	rddreg [dreg:$0x3]  }
0x5: {  	s15 =	stileid.u32;
	s13 =	rddreg [dreg:$0x4];
	s4 =	simm.s32 $0x0  }
0x6: {  	s28 =	simm.s32 $0x3;
	s29 =	simm.s32 $0x6;
	s30 =	simm.s32 $0x13100  }
0x7: {  	s31 =	simm.s32 $0x2100;
	s19 =	simm.s32 $0x2;
	s3 =	sand.u32 $0x1, s3  }
0x8: {  	s6 =	sshll.u32 s15, $0x9;
	[smem:$0x7FF] =	sst s4;
	s8 =	sadd.s32 $0x300, s2  }
0x9: {  	s9 =	sadd.s32 $0x400, s2;
	s10 =	sadd.s32 $0x500, s2;
	s11 =	sadd.s32 $0x600, s2  }
0xa: {  	s22 =	sshll.u32 s15, $0xE;
	s12 =	sadd.s32 $0x700, s2;
	s23 =	sshll.u32 s15, $0x11  }
0xb: {  	s7 =	sshll.u32 s3, $0x8;
	s20 =	ssub.s32 $0x2, s3;
	_ =	strace $0x80000047  }
0xc: {  	s24 =	sshll.u32 s3, $0xD;
	s3 =	sshll.u32 s3, $0x10;
	s6 =	sor.u32 s7, s6  }
0xd: {  	s21 =	sshrl.u32 s20, $0x1;
	s7 =	sadd.s32 $0x200, s2;
	s6 =	sshrl.u32 s6, $0x3  }
0xe: {  	s14 =	ssub.s32 s20, s21;
	s20 =	simm.s32 $0xB100;
	s21 =	simm.s32 $0x5  }
0xf: {  	s0 =	sadd.s32 s6, s0;
	s6 =	sadd.s32 $0x100, s2;
	s25 =	smax.u32 s14, $0x1  }
0x10: {  	s14 =	simm.s32 $0x0;
	s0 =	sadd.s32 $0xC00, s0;
	[dreg:$0x7] =	wrdreg s25  }
.Ltmp0:
0x11: {  	s25 =	simm.s32 $0x8;
	[dreg:$0x6] =	wrdreg s0;
	(pc) =	sbr.rel .LBB2_1-.Ltmp0, $4  }
0x12: {  	s0 =	sadd.s32 s22, s5;
	s5 =	sadd.s32 s23, s13;
	s23 =	simm.s32 $0x1100  }
0x13: {  	v2 =	vlaneseq.u32;
	s13 =	simm.s32 $0x4;
	s0 =	sadd.s32 s24, s0;
	s26 =	sadd.s32 s3, s5  }
0x14: {  	vm0 =	vmmov $0xffff;
	v1 =	vshrl.u32 v2, $0x3;
	s3 =	simm.s32 $0x7;
	s5 =	simm.s32 $0x1;
	[dreg:$0x8] =	wrdreg s0  }
0x15: {  	v0 =	vand.u32 $0x7, v2;
	v2 =	vor.u32 $0x8, v2;
	v1 =	vmul.u32 $0x8, v1;
	[dreg:$0x9] =	wrdreg s26;
	s26 =	simm.s32 $0xB;
	s0 =	simm.s32 $0xA  }
.LBB2_10:
0x16: {  	_ =	swait.ge [sflag:s3], $0x8000  }
0x17: {  	[sflag:s3] =	ssyncset.done $0x0  }
0x18: {  	[sflag:s3] =	ssyncadd.s32 $0xFFFF8000  }
0x19: {  	_ =	swait.ge [sflag:s0], $0x1000  }
0x1a: {  	s14 =	sadd.s32 $0x1, s14;
	s15 =	rddreg [dreg:$0x7]  }
0x1b: {  	p0 =	sne.s32 s14, s15  }
.Ltmp1:
0x1c: {  	_ = 	snop;
	(pc) =	sbr.rel @!p0 .LBB2_11-.Ltmp1, $3  }
0x1d: {  	_ =	sdelay $0x1  }
0x1e: {  	[sflag:s0] =	ssyncset.done $0x0  }
0x1f: {  	[sflag:s0] =	ssyncadd.s32 $0xFFFFF000  }
.LBB2_1:
0x20: {  	s15 =	rddreg [dreg:$0x6];
	s16 =	simm.s32 $0xD  }
0x21: {  	[tilespmem:s4], [sflag:$0xD] =	stream.linear.gather [hbm4b:s15+s4], $0x100, $0x38;
	[tilespmem:$0x1B100] =	vst v63  }
0x22: {  	_ =	swait.ge [sflag:s16], $0x100  }
0x23: {  	[sflag:s16] =	ssyncset.done $0x0  }
0x24: {  	[sflag:s16] =	ssyncadd.s32 $0xFFFFFF00  }
0x25: {  	v3 =	vld [tilespmem:$0x0];
	_ =	sdelay $0x4  }
0x26: {  	v4 =	vshrl.u32 v3, $0x3  }
0x27: {  	v3 =	vand.u32 $0x7, v3;
	v5 =	vshll.u32 v4, $0x7  }
0x28: {  	v5 =	vor.u32 v3, v5  }
0x29: {  	v6 =	vperm.xlane v5, v0;
	_ =	sdelay $0x1  }
0x2a: {  	v6 =	vadd.s32 v1, v6;
	_ =	sdelay $0x3  }
0x2b: {  	s17 =	simm.s32 $0x3100  }
0x2c: {  	[tilespmem:s17], [sflag:$0x1] =	stream.indirect_vreg.gather [hbm4b:s2+s4], $0x80, v6, vm0, $0xb8;
	[tilespmem:$0x1B100] =	vst v63  }
0x2d: {  	s18 =	simm.s32 $0x3900  }
0x2e: {  	[tilespmem:s18], [sflag:$0x1] =	stream.indirect_vreg.gather [hbm4b:s6+s4], $0x80, v6, vm0, $0xb8;
	[tilespmem:$0x1B100] =	vst v63  }
0x2f: {  	s22 =	simm.s32 $0x4100  }
0x30: {  	[tilespmem:s22], [sflag:$0x1] =	stream.indirect_vreg.gather [hbm4b:s7+s4], $0x80, v6, vm0, $0xb8;
	[tilespmem:$0x1B100] =	vst v63  }
0x31: {  	s24 =	simm.s32 $0x4900  }
0x32: {  	[tilespmem:s24], [sflag:$0x1] =	stream.indirect_vreg.gather [hbm4b:s8+s4], $0x80, v6, vm0, $0xb8;
	[tilespmem:$0x1B100] =	vst v63  }
0x33: {  	s16 =	simm.s32 $0x5100  }
0x34: {  	[tilespmem:s16], [sflag:$0x1] =	stream.indirect_vreg.gather [hbm4b:s9+s4], $0x80, v6, vm0, $0xb8;
	[tilespmem:$0x1B100] =	vst v63  }
0x35: {  	v5 =	vperm.xlane v5, v2;
	s17 =	simm.s32 $0x5900  }
0x36: {  	[tilespmem:s17], [sflag:$0x1] =	stream.indirect_vreg.gather [hbm4b:s10+s4], $0x80, v6, vm0, $0xb8;
	[tilespmem:$0x1B100] =	vst v63  }
0x37: {  	v5 =	vadd.s32 v1, v5;
	s18 =	simm.s32 $0x6100  }
0x38: {  	[tilespmem:s18], [sflag:$0x1] =	stream.indirect_vreg.gather [hbm4b:s11+s4], $0x80, v6, vm0, $0xb8;
	[tilespmem:$0x1B100] =	vst v63  }
0x39: {  	s22 =	simm.s32 $0x6900  }
0x3a: {  	[tilespmem:s22], [sflag:$0x1] =	stream.indirect_vreg.gather [hbm4b:s12+s4], $0x80, v6, vm0, $0xb8;
	[tilespmem:$0x1B100] =	vst v63  }
0x3b: {  	s24 =	simm.s32 $0x7100  }
0x3c: {  	[tilespmem:s24], [sflag:$0x1] =	stream.indirect_vreg.gather [hbm4b:s2+s4], $0x80, v5, vm0, $0xb8;
	[tilespmem:$0x1B100] =	vst v63  }
0x3d: {  	s16 =	simm.s32 $0x7900  }
0x3e: {  	[tilespmem:s16], [sflag:$0x1] =	stream.indirect_vreg.gather [hbm4b:s6+s4], $0x80, v5, vm0, $0xb8;
	[tilespmem:$0x1B100] =	vst v63  }
0x3f: {  	s17 =	simm.s32 $0x8100  }
0x40: {  	[tilespmem:s17], [sflag:$0x1] =	stream.indirect_vreg.gather [hbm4b:s7+s4], $0x80, v5, vm0, $0xb8;
	[tilespmem:$0x1B100] =	vst v63  }
0x41: {  	s18 =	simm.s32 $0x8900  }
0x42: {  	[tilespmem:s18], [sflag:$0x1] =	stream.indirect_vreg.gather [hbm4b:s8+s4], $0x80, v5, vm0, $0xb8;
	[tilespmem:$0x1B100] =	vst v63  }
0x43: {  	v4 =	vshll.u32 v4, $0x4;
	s22 =	simm.s32 $0x9100  }
0x44: {  	v3 =	vor.u32 v3, v4;
	[tilespmem:s22], [sflag:$0x1] =	stream.indirect_vreg.gather [hbm4b:s9+s4], $0x80, v5, vm0, $0xb8;
	[tilespmem:$0x1B100] =	vst v63  }
0x45: {  	v4 =	vperm.xlane v3, v0;
	s24 =	simm.s32 $0x9900  }
0x46: {  	[tilespmem:s24], [sflag:$0x1] =	stream.indirect_vreg.gather [hbm4b:s10+s4], $0x80, v5, vm0, $0xb8;
	[tilespmem:$0x1B100] =	vst v63  }
0x47: {  	v3 =	vperm.xlane v3, v2;
	v4 =	vadd.s32 v1, v4;
	s16 =	simm.s32 $0xA100  }
0x48: {  	[tilespmem:s16], [sflag:$0x1] =	stream.indirect_vreg.gather [hbm4b:s11+s4], $0x80, v5, vm0, $0xb8;
	[tilespmem:$0x1B100] =	vst v63  }
0x49: {  	v3 =	vadd.s32 v1, v3;
	s17 =	simm.s32 $0xA900  }
0x4a: {  	[tilespmem:s17], [sflag:$0x1] =	stream.indirect_vreg.gather [hbm4b:s12+s4], $0x80, v5, vm0, $0xb8;
	[tilespmem:$0x1B100] =	vst v63  }
0x4b: {  	s18 =	simm.s32 $0x100  }
0x4c: {  	[tilespmem:s18], [sflag:$0x4] =	stream.indirect_vreg.gather [hbm4b:s1+s4], $0x80, v4, vm0, $0xb8;
	[tilespmem:$0x1B100] =	vst v63  }
0x4d: {  	s22 =	simm.s32 $0x900  }
0x4e: {  	[tilespmem:s22], [sflag:$0x4] =	stream.indirect_vreg.gather [hbm4b:s1+s4], $0x80, v3, vm0, $0xb8;
	[tilespmem:$0x1B100] =	vst v63  }
0x4f: {  	v3 =	vld [tilespmem:$0x10];
	_ =	sdelay $0x4  }
0x50: {  	v61 =	vshrl.u32 v3, $0x3  }
0x51: {  	v3 =	vand.u32 $0x7, v3;
	v62 =	vshll.u32 v61, $0x7  }
0x52: {  	v5 =	vor.u32 v3, v62  }
0x53: {  	v63 =	vperm.xlane v5, v0;
	_ =	sdelay $0x1  }
0x54: {  	v6 =	vadd.s32 v1, v63;
	_ =	sdelay $0x4  }
0x55: {  	[tilespmem:s20], [sflag:$0x2] =	stream.indirect_vreg.gather [hbm4b:s2+s4], $0x80, v6, vm0, $0xb8;
	[tilespmem:$0x1B100] =	vst v63  }
0x56: {  	s24 =	simm.s32 $0xB900  }
0x57: {  	[tilespmem:s24], [sflag:$0x2] =	stream.indirect_vreg.gather [hbm4b:s6+s4], $0x80, v6, vm0, $0xb8;
	[tilespmem:$0x1B100] =	vst v63  }
0x58: {  	s16 =	simm.s32 $0xC100  }
0x59: {  	[tilespmem:s16], [sflag:$0x2] =	stream.indirect_vreg.gather [hbm4b:s7+s4], $0x80, v6, vm0, $0xb8;
	[tilespmem:$0x1B100] =	vst v63  }
0x5a: {  	s17 =	simm.s32 $0xC900  }
0x5b: {  	[tilespmem:s17], [sflag:$0x2] =	stream.indirect_vreg.gather [hbm4b:s8+s4], $0x80, v6, vm0, $0xb8;
	[tilespmem:$0x1B100] =	vst v63  }
0x5c: {  	s18 =	simm.s32 $0xD100  }
0x5d: {  	[tilespmem:s18], [sflag:$0x2] =	stream.indirect_vreg.gather [hbm4b:s9+s4], $0x80, v6, vm0, $0xb8;
	[tilespmem:$0x1B100] =	vst v63  }
0x5e: {  	s22 =	simm.s32 $0xD900;
	v5 =	vperm.xlane v5, v2  }
0x5f: {  	[tilespmem:s22], [sflag:$0x2] =	stream.indirect_vreg.gather [hbm4b:s10+s4], $0x80, v6, vm0, $0xb8;
	[tilespmem:$0x1B100] =	vst v63  }
0x60: {  	v5 =	vadd.s32 v1, v5;
	s24 =	simm.s32 $0xE100  }
0x61: {  	[tilespmem:s24], [sflag:$0x2] =	stream.indirect_vreg.gather [hbm4b:s11+s4], $0x80, v6, vm0, $0xb8;
	[tilespmem:$0x1B100] =	vst v63  }
0x62: {  	s16 =	simm.s32 $0xE900  }
0x63: {  	[tilespmem:s16], [sflag:$0x2] =	stream.indirect_vreg.gather [hbm4b:s12+s4], $0x80, v6, vm0, $0xb8;
	[tilespmem:$0x1B100] =	vst v63  }
0x64: {  	s17 =	simm.s32 $0xF100  }
0x65: {  	[tilespmem:s17], [sflag:$0x2] =	stream.indirect_vreg.gather [hbm4b:s2+s4], $0x80, v5, vm0, $0xb8;
	[tilespmem:$0x1B100] =	vst v63  }
0x66: {  	s18 =	simm.s32 $0xF900  }
0x67: {  	[tilespmem:s18], [sflag:$0x2] =	stream.indirect_vreg.gather [hbm4b:s6+s4], $0x80, v5, vm0, $0xb8;
	[tilespmem:$0x1B100] =	vst v63  }
0x68: {  	s22 =	simm.s32 $0x10100  }
0x69: {  	[tilespmem:s22], [sflag:$0x2] =	stream.indirect_vreg.gather [hbm4b:s7+s4], $0x80, v5, vm0, $0xb8;
	[tilespmem:$0x1B100] =	vst v63  }
0x6a: {  	s24 =	simm.s32 $0x10900  }
0x6b: {  	[tilespmem:s24], [sflag:$0x2] =	stream.indirect_vreg.gather [hbm4b:s8+s4], $0x80, v5, vm0, $0xb8;
	[tilespmem:$0x1B100] =	vst v63  }
0x6c: {  	v4 =	vshll.u32 v61, $0x4;
	s16 =	simm.s32 $0x11100  }
0x6d: {  	v3 =	vor.u32 v3, v4;
	[tilespmem:s16], [sflag:$0x2] =	stream.indirect_vreg.gather [hbm4b:s9+s4], $0x80, v5, vm0, $0xb8;
	[tilespmem:$0x1B100] =	vst v63  }
0x6e: {  	v4 =	vperm.xlane v3, v0;
	s17 =	simm.s32 $0x11900  }
0x6f: {  	[tilespmem:s17], [sflag:$0x2] =	stream.indirect_vreg.gather [hbm4b:s10+s4], $0x80, v5, vm0, $0xb8;
	[tilespmem:$0x1B100] =	vst v63  }
0x70: {  	v3 =	vperm.xlane v3, v2;
	v4 =	vadd.s32 v1, v4;
	s18 =	simm.s32 $0x12100  }
0x71: {  	[tilespmem:s18], [sflag:$0x2] =	stream.indirect_vreg.gather [hbm4b:s11+s4], $0x80, v5, vm0, $0xb8;
	[tilespmem:$0x1B100] =	vst v63  }
0x72: {  	v3 =	vadd.s32 v1, v3;
	s22 =	simm.s32 $0x12900  }
0x73: {  	[tilespmem:s22], [sflag:$0x2] =	stream.indirect_vreg.gather [hbm4b:s12+s4], $0x80, v5, vm0, $0xb8;
	[tilespmem:$0x1B100] =	vst v63  }
.Ltmp2:
0x74: {  	_ = 	snop;
	(pc) =	sbr.rel .LBB2_2-.Ltmp2, $4  }
0x75: {  	[tilespmem:s23], [sflag:$0x5] =	stream.indirect_vreg.gather [hbm4b:s1+s4], $0x80, v4, vm0, $0xb8;
	[tilespmem:$0x1B100] =	vst v63  }
0x76: {  	s24 =	simm.s32 $0x1900;
	s16 =	rddreg [dreg:$0x9]  }
0x77: {  	[tilespmem:s24], [sflag:$0x5] =	stream.indirect_vreg.gather [hbm4b:s1+s4], $0x80, v3, vm0, $0xb8;
	[tilespmem:$0x1B100] =	vst v63  }
0x78: {  	s15 =	simm.s32 $0x20;
	s22 =	rddreg [dreg:$0x8];
	s24 =	simm.s32 $0x0  }
.LBB2_8:
0x79: {  	_ =	swait.ge [sflag:s25], $0x8000  }
0x7a: {  	[sflag:s25] =	ssyncset.done $0x0  }
0x7b: {  	[sflag:s25] =	ssyncadd.s32 $0xFFFF8000  }
0x7c: {  	_ =	swait.ge [sflag:s26], $0x1000  }
0x7d: {  	[sflag:s26] =	ssyncset.done $0x0  }
0x7e: {  	p0 =	sgt.u32 s24, $0xD;
	[sflag:s26] =	ssyncadd.s32 $0xFFFFF000  }
0x7f: {  	v3 =	vld @!p0 [tilespmem:s15+$0x0];
	_ =	sdelay $0x4  }
0x80: {  	v4 =	vshrl.u32 @!p0 v3, $0x3  }
0x81: {  	v6 =	vlaneseq.u32 @!p0;
	v3 =	vand.u32 @!p0 $0x7, v3;
	v5 =	vshll.u32 @!p0 v4, $0x7  }
0x82: {  	v7 =	vand.u32 @!p0 $0x7, v6;
	v8 =	vshrl.u32 @!p0 v6, $0x3;
	v5 =	vor.u32 @!p0 v3, v5  }
0x83: {  	v8 =	vmul.u32 @!p0 $0x8, v8;
	v9 =	vperm.xlane @!p0 v5, v7;
	_ =	sdelay $0x1  }
0x84: {  	v9 =	vadd.s32 @!p0 v8, v9;
	_ =	sdelay $0x3  }
0x85: {  	vm1 =	vmmov @!p0 $0xffff;
	s17 =	simm.s32 @!p0 $0x0;
	s18 =	simm.s32 @!p0 $0xB100  }
0x86: {  	[tilespmem:s18], [sflag:$0x2] =	stream.indirect_vreg.gather @!p0 [hbm4b:s2+s17], $0x80, v9, vm1, $0xb8;
	[tilespmem:$0x1B100] =	vst v63  }
0x87: {  	s18 =	simm.s32 @!p0 $0xB900  }
0x88: {  	[tilespmem:s18], [sflag:$0x2] =	stream.indirect_vreg.gather @!p0 [hbm4b:s6+s17], $0x80, v9, vm1, $0xb8;
	[tilespmem:$0x1B100] =	vst v63  }
0x89: {  	s18 =	simm.s32 @!p0 $0xC100  }
0x8a: {  	[tilespmem:s18], [sflag:$0x2] =	stream.indirect_vreg.gather @!p0 [hbm4b:s7+s17], $0x80, v9, vm1, $0xb8;
	[tilespmem:$0x1B100] =	vst v63  }
0x8b: {  	s18 =	simm.s32 @!p0 $0xC900  }
0x8c: {  	[tilespmem:s18], [sflag:$0x2] =	stream.indirect_vreg.gather @!p0 [hbm4b:s8+s17], $0x80, v9, vm1, $0xb8;
	[tilespmem:$0x1B100] =	vst v63  }
0x8d: {  	s18 =	simm.s32 @!p0 $0xD100  }
0x8e: {  	v6 =	vor.u32 @!p0 $0x8, v6;
	[tilespmem:s18], [sflag:$0x2] =	stream.indirect_vreg.gather @!p0 [hbm4b:s9+s17], $0x80, v9, vm1, $0xb8;
	[tilespmem:$0x1B100] =	vst v63  }
0x8f: {  	v5 =	vperm.xlane @!p0 v5, v6;
	s18 =	simm.s32 @!p0 $0xD900  }
0x90: {  	[tilespmem:s18], [sflag:$0x2] =	stream.indirect_vreg.gather @!p0 [hbm4b:s10+s17], $0x80, v9, vm1, $0xb8;
	[tilespmem:$0x1B100] =	vst v63  }
0x91: {  	v5 =	vadd.s32 @!p0 v8, v5;
	s18 =	simm.s32 @!p0 $0xE100  }
0x92: {  	[tilespmem:s18], [sflag:$0x2] =	stream.indirect_vreg.gather @!p0 [hbm4b:s11+s17], $0x80, v9, vm1, $0xb8;
	[tilespmem:$0x1B100] =	vst v63  }
0x93: {  	s18 =	simm.s32 @!p0 $0xE900  }
0x94: {  	[tilespmem:s18], [sflag:$0x2] =	stream.indirect_vreg.gather @!p0 [hbm4b:s12+s17], $0x80, v9, vm1, $0xb8;
	[tilespmem:$0x1B100] =	vst v63  }
0x95: {  	s18 =	simm.s32 @!p0 $0xF100  }
0x96: {  	[tilespmem:s18], [sflag:$0x2] =	stream.indirect_vreg.gather @!p0 [hbm4b:s2+s17], $0x80, v5, vm1, $0xb8;
	[tilespmem:$0x1B100] =	vst v63  }
0x97: {  	s18 =	simm.s32 @!p0 $0xF900  }
0x98: {  	[tilespmem:s18], [sflag:$0x2] =	stream.indirect_vreg.gather @!p0 [hbm4b:s6+s17], $0x80, v5, vm1, $0xb8;
	[tilespmem:$0x1B100] =	vst v63  }
0x99: {  	s18 =	simm.s32 @!p0 $0x10100  }
0x9a: {  	[tilespmem:s18], [sflag:$0x2] =	stream.indirect_vreg.gather @!p0 [hbm4b:s7+s17], $0x80, v5, vm1, $0xb8;
	[tilespmem:$0x1B100] =	vst v63  }
0x9b: {  	s18 =	simm.s32 @!p0 $0x10900  }
0x9c: {  	[tilespmem:s18], [sflag:$0x2] =	stream.indirect_vreg.gather @!p0 [hbm4b:s8+s17], $0x80, v5, vm1, $0xb8;
	[tilespmem:$0x1B100] =	vst v63  }
0x9d: {  	v4 =	vshll.u32 @!p0 v4, $0x4;
	s18 =	simm.s32 @!p0 $0x11100  }
0x9e: {  	v3 =	vor.u32 @!p0 v3, v4;
	[tilespmem:s18], [sflag:$0x2] =	stream.indirect_vreg.gather @!p0 [hbm4b:s9+s17], $0x80, v5, vm1, $0xb8;
	[tilespmem:$0x1B100] =	vst v63  }
0x9f: {  	v4 =	vperm.xlane @!p0 v3, v7;
	s18 =	simm.s32 @!p0 $0x11900  }
0xa0: {  	[tilespmem:s18], [sflag:$0x2] =	stream.indirect_vreg.gather @!p0 [hbm4b:s10+s17], $0x80, v5, vm1, $0xb8;
	[tilespmem:$0x1B100] =	vst v63  }
0xa1: {  	v3 =	vperm.xlane @!p0 v3, v6;
	v4 =	vadd.s32 @!p0 v8, v4;
	s18 =	simm.s32 @!p0 $0x12100  }
0xa2: {  	[tilespmem:s18], [sflag:$0x2] =	stream.indirect_vreg.gather @!p0 [hbm4b:s11+s17], $0x80, v5, vm1, $0xb8;
	[tilespmem:$0x1B100] =	vst v63  }
0xa3: {  	v3 =	vadd.s32 @!p0 v8, v3;
	s18 =	simm.s32 @!p0 $0x12900  }
0xa4: {  	[tilespmem:s18], [sflag:$0x2] =	stream.indirect_vreg.gather @!p0 [hbm4b:s12+s17], $0x80, v5, vm1, $0xb8;
	[tilespmem:$0x1B100] =	vst v63  }
0xa5: {  	s18 =	simm.s32 @!p0 $0x1100  }
0xa6: {  	[tilespmem:s18], [sflag:$0x5] =	stream.indirect_vreg.gather @!p0 [hbm4b:s1+s17], $0x80, v4, vm1, $0xb8;
	[tilespmem:$0x1B100] =	vst v63  }
0xa7: {  	s18 =	simm.s32 @!p0 $0x1900  }
0xa8: {  	[tilespmem:s18], [sflag:$0x5] =	stream.indirect_vreg.gather @!p0 [hbm4b:s1+s17], $0x80, v3, vm1, $0xb8;
	[tilespmem:$0x1B100] =	vst v63  }
0xa9: {  	_ =	swait.ge [sflag:s28], $0x8000  }
0xaa: {  	[sflag:s28] =	ssyncset.done $0x0  }
0xab: {  	[sflag:s28] =	ssyncadd.s32 $0xFFFF8000  }
0xac: {  	_ =	swait.ge [sflag:s29], $0x1000  }
0xad: {  	[sflag:s29] =	ssyncset.done $0x0  }
0xae: {  	[sflag:s29] =	ssyncadd.s32 $0xFFFFF000  }
0xaf: {  	[hbm4b:s16+s4] =	stream.linear.scatter [tilespmem:s30], [sflag:$0x9], $0x8000, $0x38;
	[tilespmem:$0x1B100] =	vst v63  }
0xb0: {  	_ = 	snop  }
0xb1: {  	[hbm4b:s22+s4] =	stream.linear.scatter [tilespmem:s31], [sflag:$0xC], $0x1000, $0x38;
	[tilespmem:$0x1B100] =	vst v63  }
.LBB2_9:
0xb2: {  	s24 =	sadd.s32 $0x1, s24  }
0xb3: {  	p0 =	sne.s32 s24, $0x10  }
.Ltmp3:
0xb4: {  	_ = 	snop;
	(pc) =	sbr.rel @!p0 .LBB2_10-.Ltmp3, $2  }
0xb5: {  	_ =	sdelay $0x2  }
0xb6: {  	s15 =	sadd.s32 $0x10, s15;
	s22 =	sadd.s32 $0x200, s22;
	s16 =	sadd.s32 $0x1000, s16  }
.LBB2_2:
0xb7: {  	s17 =	smul.u32 $0xAB, s24;
	_ =	sdelay $0x1  }
0xb8: {  	s17 =	sshrl.u32 s17, $0x9  }
0xb9: {  	s17 =	sand.u32 $0x7F, s17  }
0xba: {  	s17 =	smul.u32 $0x3, s17;
	_ =	sdelay $0x1  }
0xbb: {  	s17 =	ssub.s32 s24, s17  }
0xbc: {  	s17 =	sand.u32 $0xFF, s17  }
0xbd: {  	p0 =	seq.s32 s17, $0x2  }
.Ltmp4:
0xbe: {  	_ = 	snop;
	(pc) =	sbr.rel @p0 .LBB2_8-.Ltmp4, $1  }
0xbf: {  	_ =	sdelay $0x3  }
0xc0: {  	p0 =	seq.s32 s17, $0x1  }
.Ltmp5:
0xc1: {  	_ = 	snop;
	(pc) =	sbr.rel @!p0 .LBB2_4-.Ltmp5, $1  }
0xc2: {  	_ =	sdelay $0x3  }
0xc3: {  	_ =	swait.ge [sflag:s3], $0x8000  }
0xc4: {  	[sflag:s3] =	ssyncset.done $0x0  }
0xc5: {  	[sflag:s3] =	ssyncadd.s32 $0xFFFF8000  }
0xc6: {  	_ =	swait.ge [sflag:s0], $0x1000  }
0xc7: {  	[sflag:s0] =	ssyncset.done $0x0  }
0xc8: {  	p0 =	sgt.u32 s24, $0xD;
	[sflag:s0] =	ssyncadd.s32 $0xFFFFF000  }
0xc9: {  	v3 =	vld @!p0 [tilespmem:s15+$0x0];
	_ =	sdelay $0x4  }
0xca: {  	v4 =	vshrl.u32 @!p0 v3, $0x3  }
0xcb: {  	v6 =	vlaneseq.u32 @!p0;
	v3 =	vand.u32 @!p0 $0x7, v3;
	v5 =	vshll.u32 @!p0 v4, $0x7  }
0xcc: {  	v7 =	vand.u32 @!p0 $0x7, v6;
	v8 =	vshrl.u32 @!p0 v6, $0x3;
	v5 =	vor.u32 @!p0 v3, v5  }
0xcd: {  	v8 =	vmul.u32 @!p0 $0x8, v8;
	v9 =	vperm.xlane @!p0 v5, v7;
	_ =	sdelay $0x1  }
0xce: {  	v9 =	vadd.s32 @!p0 v8, v9;
	_ =	sdelay $0x3  }
0xcf: {  	vm1 =	vmmov @!p0 $0xffff;
	s17 =	simm.s32 @!p0 $0x0;
	s18 =	simm.s32 @!p0 $0x3100  }
0xd0: {  	[tilespmem:s18], [sflag:$0x1] =	stream.indirect_vreg.gather @!p0 [hbm4b:s2+s17], $0x80, v9, vm1, $0xb8;
	[tilespmem:$0x1B100] =	vst v63  }
0xd1: {  	s18 =	simm.s32 @!p0 $0x3900  }
0xd2: {  	[tilespmem:s18], [sflag:$0x1] =	stream.indirect_vreg.gather @!p0 [hbm4b:s6+s17], $0x80, v9, vm1, $0xb8;
	[tilespmem:$0x1B100] =	vst v63  }
0xd3: {  	s18 =	simm.s32 @!p0 $0x4100  }
0xd4: {  	[tilespmem:s18], [sflag:$0x1] =	stream.indirect_vreg.gather @!p0 [hbm4b:s7+s17], $0x80, v9, vm1, $0xb8;
	[tilespmem:$0x1B100] =	vst v63  }
0xd5: {  	s18 =	simm.s32 @!p0 $0x4900  }
0xd6: {  	[tilespmem:s18], [sflag:$0x1] =	stream.indirect_vreg.gather @!p0 [hbm4b:s8+s17], $0x80, v9, vm1, $0xb8;
	[tilespmem:$0x1B100] =	vst v63  }
0xd7: {  	s18 =	simm.s32 @!p0 $0x5100  }
0xd8: {  	v6 =	vor.u32 @!p0 $0x8, v6;
	[tilespmem:s18], [sflag:$0x1] =	stream.indirect_vreg.gather @!p0 [hbm4b:s9+s17], $0x80, v9, vm1, $0xb8;
	[tilespmem:$0x1B100] =	vst v63  }
0xd9: {  	v5 =	vperm.xlane @!p0 v5, v6;
	s18 =	simm.s32 @!p0 $0x5900  }
0xda: {  	[tilespmem:s18], [sflag:$0x1] =	stream.indirect_vreg.gather @!p0 [hbm4b:s10+s17], $0x80, v9, vm1, $0xb8;
	[tilespmem:$0x1B100] =	vst v63  }
0xdb: {  	v5 =	vadd.s32 @!p0 v8, v5;
	s18 =	simm.s32 @!p0 $0x6100  }
0xdc: {  	[tilespmem:s18], [sflag:$0x1] =	stream.indirect_vreg.gather @!p0 [hbm4b:s11+s17], $0x80, v9, vm1, $0xb8;
	[tilespmem:$0x1B100] =	vst v63  }
0xdd: {  	s18 =	simm.s32 @!p0 $0x6900  }
0xde: {  	[tilespmem:s18], [sflag:$0x1] =	stream.indirect_vreg.gather @!p0 [hbm4b:s12+s17], $0x80, v9, vm1, $0xb8;
	[tilespmem:$0x1B100] =	vst v63  }
0xdf: {  	s18 =	simm.s32 @!p0 $0x7100  }
0xe0: {  	[tilespmem:s18], [sflag:$0x1] =	stream.indirect_vreg.gather @!p0 [hbm4b:s2+s17], $0x80, v5, vm1, $0xb8;
	[tilespmem:$0x1B100] =	vst v63  }
0xe1: {  	s18 =	simm.s32 @!p0 $0x7900  }
0xe2: {  	[tilespmem:s18], [sflag:$0x1] =	stream.indirect_vreg.gather @!p0 [hbm4b:s6+s17], $0x80, v5, vm1, $0xb8;
	[tilespmem:$0x1B100] =	vst v63  }
0xe3: {  	s18 =	simm.s32 @!p0 $0x8100  }
0xe4: {  	[tilespmem:s18], [sflag:$0x1] =	stream.indirect_vreg.gather @!p0 [hbm4b:s7+s17], $0x80, v5, vm1, $0xb8;
	[tilespmem:$0x1B100] =	vst v63  }
0xe5: {  	s18 =	simm.s32 @!p0 $0x8900  }
0xe6: {  	[tilespmem:s18], [sflag:$0x1] =	stream.indirect_vreg.gather @!p0 [hbm4b:s8+s17], $0x80, v5, vm1, $0xb8;
	[tilespmem:$0x1B100] =	vst v63  }
0xe7: {  	v4 =	vshll.u32 @!p0 v4, $0x4;
	s18 =	simm.s32 @!p0 $0x9100  }
0xe8: {  	v3 =	vor.u32 @!p0 v3, v4;
	[tilespmem:s18], [sflag:$0x1] =	stream.indirect_vreg.gather @!p0 [hbm4b:s9+s17], $0x80, v5, vm1, $0xb8;
	[tilespmem:$0x1B100] =	vst v63  }
0xe9: {  	v4 =	vperm.xlane @!p0 v3, v7;
	s18 =	simm.s32 @!p0 $0x9900  }
0xea: {  	[tilespmem:s18], [sflag:$0x1] =	stream.indirect_vreg.gather @!p0 [hbm4b:s10+s17], $0x80, v5, vm1, $0xb8;
	[tilespmem:$0x1B100] =	vst v63  }
0xeb: {  	v3 =	vperm.xlane @!p0 v3, v6;
	v4 =	vadd.s32 @!p0 v8, v4;
	s18 =	simm.s32 @!p0 $0xA100  }
0xec: {  	[tilespmem:s18], [sflag:$0x1] =	stream.indirect_vreg.gather @!p0 [hbm4b:s11+s17], $0x80, v5, vm1, $0xb8;
	[tilespmem:$0x1B100] =	vst v63  }
0xed: {  	v3 =	vadd.s32 @!p0 v8, v3;
	s18 =	simm.s32 @!p0 $0xA900  }
0xee: {  	[tilespmem:s18], [sflag:$0x1] =	stream.indirect_vreg.gather @!p0 [hbm4b:s12+s17], $0x80, v5, vm1, $0xb8;
	[tilespmem:$0x1B100] =	vst v63  }
0xef: {  	s18 =	simm.s32 @!p0 $0x100  }
0xf0: {  	[tilespmem:s18], [sflag:$0x4] =	stream.indirect_vreg.gather @!p0 [hbm4b:s1+s17], $0x80, v4, vm1, $0xb8;
	[tilespmem:$0x1B100] =	vst v63  }
0xf1: {  	s18 =	simm.s32 @!p0 $0x900  }
0xf2: {  	[tilespmem:s18], [sflag:$0x4] =	stream.indirect_vreg.gather @!p0 [hbm4b:s1+s17], $0x80, v3, vm1, $0xb8;
	[tilespmem:$0x1B100] =	vst v63  }
0xf3: {  	_ =	swait.ge [sflag:s19], $0x8000  }
0xf4: {  	[sflag:s19] =	ssyncset.done $0x0  }
0xf5: {  	[sflag:s19] =	ssyncadd.s32 $0xFFFF8000  }
0xf6: {  	_ =	swait.ge [sflag:s21], $0x1000  }
.Ltmp6:
0xf7: {  	[sflag:s21] =	ssyncset.done $0x0;
	(pc) =	sbr.rel .LBB2_9-.Ltmp6, $4  }
0xf8: {  	[sflag:s21] =	ssyncadd.s32 $0xFFFFF000  }
0xf9: {  	[hbm4b:s16+s4] =	stream.linear.scatter [tilespmem:s20], [sflag:$0x8], $0x8000, $0x38;
	[tilespmem:$0x1B100] =	vst v63  }
0xfa: {  	_ = 	snop  }
0xfb: {  	[hbm4b:s22+s4] =	stream.linear.scatter [tilespmem:s23], [sflag:$0xB], $0x1000, $0x38;
	[tilespmem:$0x1B100] =	vst v63  }
.LBB2_4:
0xfc: {  	p0 =	seq.s32 s24, $0x0  }
0xfd: {  	s17 =	simm.s32 @!p0 $0x9;
	p1 =	sgt.u32 @!p0 s24, $0xD  }
0xfe: {  	_ =	swait.ge @!p0 [sflag:s17], $0x8000;
	p1 =	por p0, !p1  }
.Ltmp7:
0xff: {  	[sflag:s17] =	ssyncset.done @!p0 $0x0;
	(pc) =	sbr.rel @!p1 .LBB2_6-.Ltmp7, $4  }
0x100: {  	[sflag:s17] =	ssyncadd.s32 @!p0 $0xFFFF8000;
	s17 =	simm.s32 @!p0 $0xC  }
0x101: {  	_ =	swait.ge @!p0 [sflag:s17], $0x1000  }
0x102: {  	[sflag:s17] =	ssyncset.done @!p0 $0x0  }
0x103: {  	[sflag:s17] =	ssyncadd.s32 @!p0 $0xFFFFF000  }
0x104: {  	v3 =	vld [tilespmem:s15+$0x0];
	_ =	sdelay $0x4  }
0x105: {  	v4 =	vshrl.u32 v3, $0x3  }
0x106: {  	v3 =	vand.u32 $0x7, v3;
	v5 =	vshll.u32 v4, $0x7  }
0x107: {  	v5 =	vor.u32 v3, v5  }
0x108: {  	v6 =	vperm.xlane v5, v0;
	_ =	sdelay $0x1  }
0x109: {  	v6 =	vadd.s32 v1, v6;
	_ =	sdelay $0x4  }
0x10a: {  	[tilespmem:s30], [sflag:$0x3] =	stream.indirect_vreg.gather [hbm4b:s2+s4], $0x80, v6, vm0, $0xb8;
	[tilespmem:$0x1B100] =	vst v63  }
0x10b: {  	s17 =	simm.s32 $0x13900  }
0x10c: {  	[tilespmem:s17], [sflag:$0x3] =	stream.indirect_vreg.gather [hbm4b:s6+s4], $0x80, v6, vm0, $0xb8;
	[tilespmem:$0x1B100] =	vst v63  }
0x10d: {  	s18 =	simm.s32 $0x14100  }
0x10e: {  	[tilespmem:s18], [sflag:$0x3] =	stream.indirect_vreg.gather [hbm4b:s7+s4], $0x80, v6, vm0, $0xb8;
	[tilespmem:$0x1B100] =	vst v63  }
0x10f: {  	s18 =	simm.s32 $0x14900  }
0x110: {  	[tilespmem:s18], [sflag:$0x3] =	stream.indirect_vreg.gather [hbm4b:s8+s4], $0x80, v6, vm0, $0xb8;
	[tilespmem:$0x1B100] =	vst v63  }
0x111: {  	s18 =	simm.s32 $0x15100  }
0x112: {  	[tilespmem:s18], [sflag:$0x3] =	stream.indirect_vreg.gather [hbm4b:s9+s4], $0x80, v6, vm0, $0xb8;
	[tilespmem:$0x1B100] =	vst v63  }
0x113: {  	v5 =	vperm.xlane v5, v2;
	s18 =	simm.s32 $0x15900  }
0x114: {  	[tilespmem:s18], [sflag:$0x3] =	stream.indirect_vreg.gather [hbm4b:s10+s4], $0x80, v6, vm0, $0xb8;
	[tilespmem:$0x1B100] =	vst v63  }
0x115: {  	v5 =	vadd.s32 v1, v5;
	s18 =	simm.s32 $0x16100  }
0x116: {  	[tilespmem:s18], [sflag:$0x3] =	stream.indirect_vreg.gather [hbm4b:s11+s4], $0x80, v6, vm0, $0xb8;
	[tilespmem:$0x1B100] =	vst v63  }
0x117: {  	s18 =	simm.s32 $0x16900  }
0x118: {  	[tilespmem:s18], [sflag:$0x3] =	stream.indirect_vreg.gather [hbm4b:s12+s4], $0x80, v6, vm0, $0xb8;
	[tilespmem:$0x1B100] =	vst v63  }
0x119: {  	s18 =	simm.s32 $0x17100  }
0x11a: {  	[tilespmem:s18], [sflag:$0x3] =	stream.indirect_vreg.gather [hbm4b:s2+s4], $0x80, v5, vm0, $0xb8;
	[tilespmem:$0x1B100] =	vst v63  }
0x11b: {  	s18 =	simm.s32 $0x17900  }
0x11c: {  	[tilespmem:s18], [sflag:$0x3] =	stream.indirect_vreg.gather [hbm4b:s6+s4], $0x80, v5, vm0, $0xb8;
	[tilespmem:$0x1B100] =	vst v63  }
0x11d: {  	s18 =	simm.s32 $0x18100  }
0x11e: {  	[tilespmem:s18], [sflag:$0x3] =	stream.indirect_vreg.gather [hbm4b:s7+s4], $0x80, v5, vm0, $0xb8;
	[tilespmem:$0x1B100] =	vst v63  }
0x11f: {  	s18 =	simm.s32 $0x18900  }
0x120: {  	[tilespmem:s18], [sflag:$0x3] =	stream.indirect_vreg.gather [hbm4b:s8+s4], $0x80, v5, vm0, $0xb8;
	[tilespmem:$0x1B100] =	vst v63  }
0x121: {  	v4 =	vshll.u32 v4, $0x4;
	s18 =	simm.s32 $0x19100  }
0x122: {  	v3 =	vor.u32 v3, v4;
	[tilespmem:s18], [sflag:$0x3] =	stream.indirect_vreg.gather [hbm4b:s9+s4], $0x80, v5, vm0, $0xb8;
	[tilespmem:$0x1B100] =	vst v63  }
0x123: {  	v4 =	vperm.xlane v3, v0;
	s18 =	simm.s32 $0x19900  }
0x124: {  	[tilespmem:s18], [sflag:$0x3] =	stream.indirect_vreg.gather [hbm4b:s10+s4], $0x80, v5, vm0, $0xb8;
	[tilespmem:$0x1B100] =	vst v63  }
0x125: {  	v3 =	vperm.xlane v3, v2;
	v4 =	vadd.s32 v1, v4;
	s18 =	simm.s32 $0x1A100  }
0x126: {  	[tilespmem:s18], [sflag:$0x3] =	stream.indirect_vreg.gather [hbm4b:s11+s4], $0x80, v5, vm0, $0xb8;
	[tilespmem:$0x1B100] =	vst v63  }
0x127: {  	v3 =	vadd.s32 v1, v3;
	s18 =	simm.s32 $0x1A900  }
0x128: {  	[tilespmem:s18], [sflag:$0x3] =	stream.indirect_vreg.gather [hbm4b:s12+s4], $0x80, v5, vm0, $0xb8;
	[tilespmem:$0x1B100] =	vst v63  }
0x129: {  	_ = 	snop  }
0x12a: {  	[tilespmem:s31], [sflag:$0x6] =	stream.indirect_vreg.gather [hbm4b:s1+s4], $0x80, v4, vm0, $0xb8;
	[tilespmem:$0x1B100] =	vst v63  }
0x12b: {  	s18 =	simm.s32 $0x2900  }
0x12c: {  	[tilespmem:s18], [sflag:$0x6] =	stream.indirect_vreg.gather [hbm4b:s1+s4], $0x80, v3, vm0, $0xb8;
	[tilespmem:$0x1B100] =	vst v63  }
.LBB2_6:
0x12d: {  	_ =	swait.ge [sflag:s5], $0x8000  }
0x12e: {  	[sflag:s5] =	ssyncset.done $0x0  }
0x12f: {  	[sflag:s5] =	ssyncadd.s32 $0xFFFF8000  }
0x130: {  	_ =	swait.ge [sflag:s13], $0x1000  }
.Ltmp8:
0x131: {  	[sflag:s13] =	ssyncset.done $0x0;
	(pc) =	sbr.rel .LBB2_9-.Ltmp8, $4  }
0x132: {  	s17 =	simm.s32 $0x3100;
	[sflag:s13] =	ssyncadd.s32 $0xFFFFF000  }
0x133: {  	[hbm4b:s16+s4] =	stream.linear.scatter [tilespmem:s17], [sflag:$0x7], $0x8000, $0x38;
	[tilespmem:$0x1B100] =	vst v63  }
0x134: {  	s18 =	simm.s32 $0x100  }
0x135: {  	[hbm4b:s22+s4] =	stream.linear.scatter [tilespmem:s18], [sflag:$0xA], $0x1000, $0x38;
	[tilespmem:$0x1B100] =	vst v63  }
.LBB2_11:
0x136: {  	_ =	sfence.sel $0x180000  }
0x137: {  	[bflag:$0x0] =	sbarrier.arrive $0xFFFF  }
0x138: {  	_ =	strace $0x90000047  }
0x139: {  	s0 =	stileid.u32;
	[bflag:$0x2] =	sbarrier.arrive $0xFFFF  }
0x13a: {  	p0 =	sne.s32 s0, $0x0;
	s0 =	rddreg [dreg:$0x5]  }
0x13b: {  	s0 =	sadd.s32 @!p0 $0x100000, s0  }
0x13c: {  	[sflag:s0] =	ssyncadd.tile.s32 @!p0 $0x1;
	_ =	shalt  }
.Lfunc_end2:
_tile_overlayer_lowered:
.L_overlay_start_2:
0x13d: {  	(tag) =	ssettag $0x2  }
0x13e: {  	s0 =	rddreg [dreg:$0x0];
	s2 =	stileid.u32  }
0x13f: {  	s1 =	rddreg [dreg:$0x1];
	p0 =	sne.s32 s2, $0x0  }
0x140: {  	s3 =	rddreg [dreg:$0x2];
	[bflag:$0x3] =	sbarrier.arrive $0xFFFF;
	s2 =	simm.s32 @!p0 $0x1C0D  }
0x141: {  	[timem:s3], [sflag:s2] =	dma.local @!p0 [hbm:s0], s1  }
0x142: {  	s0 =	simm.s32 @!p0 $0xD  }
0x143: {  	_ =	swait.ge @!p0 [sflag:s0], s1  }
0x144: {  	s1 =	ssub.s32 @!p0 $0x0, s1;
	[sflag:s0] =	ssyncset.done @!p0 $0x0  }
0x145: {  	[sflag:s0] =	ssyncadd.s32 @!p0 s1  }
0x146: {  	[bflag:$0x3] =	sbarrier.arrive $0xFFFF  }
0x147: {  	_ =	shalt  }

</sc_bundles>
